<compile_context>
chip_gen: v7x
topology: tpu7x:2x2x1
jax: 0.10.2.dev20260603
libtpu: 0.0.44.dev20260713+nightly
codegen_flags: <defaults>
</compile_context>

<pallas_src>
import functools

import jax
import jax.numpy as jnp
from jax import lax
from jax.experimental import pallas as pl
from jax.experimental.pallas import tpu as pltpu
from jax.experimental.pallas import tpu_sc as plsc

HIDDEN = 64
LPAD = 128
CHUNK = 128
NBUF = 8


@functools.lru_cache(maxsize=None)
def _build(Bt, L, V):
    info = plsc.get_sparse_core_info()
    NC, NS = info.num_cores, info.num_subcores
    NW = NC * NS
    rpw = Bt // NW
    bpw = rpw * L
    nch = bpw // CHUNK
    iters = nch // NBUF
    ntile = L * HIDDEN // 128
    mesh = plsc.VectorSubcoreMesh(core_axis_name="c", subcore_axis_name="s")

    @functools.partial(
        pl.kernel,
        mesh=mesh,
        compiler_params=pltpu.CompilerParams(use_tc_tiling_on_sc=False),
        out_type=jax.ShapeDtypeStruct((Bt * L, HIDDEN), jnp.float32),
        scratch_types=(
            [
                pltpu.VMEM((rpw, 32), jnp.int32),
                pltpu.VMEM((bpw,), jnp.int32),
                pltpu.VMEM((nch, CHUNK), jnp.int32),
            ]
            + [pltpu.VMEM((CHUNK, HIDDEN), jnp.float32) for _ in range(NBUF)]
            + [pltpu.SemaphoreType.DMA for _ in range(NBUF)]
        ),
    )
    def k(lab_hbm, table_hbm, out_hbm, lab_v, idx_v, q_v, *rest):
        bufs = rest[:NBUF]
        sems = rest[NBUF:]
        wid = lax.axis_index("s") * NC + lax.axis_index("c")
        pltpu.sync_copy(lab_hbm.at[pl.ds(wid * rpw, rpw), pl.ds(0, 32)], lab_v)

        def repack(r, carry):
            idx_v[pl.ds(r * L, 16)] = lab_v[r, pl.ds(0, 16)]
            idx_v[pl.ds(r * L + L - 16, 16)] = lab_v[r, pl.ds(L - 16, 16)]
            return carry

        lax.fori_loop(0, rpw, repack, None)

        lanes = lax.iota(jnp.int32, 16)

        def qrow(c, carry):
            for kk in range(CHUNK // 16):
                b = c * CHUNK + kk * 16 + lanes
                r = jax.lax.shift_right_logical(b * 3277, 16)
                j = b - r * L
                q = (
                    wid * bpw
                    + jax.lax.shift_right_logical(r, 3) * (16 * ntile)
                    + (r & 7) * 2
                    + jax.lax.shift_right_logical(j, 1) * 16
                    + (j & 1)
                )
                q_v[c, pl.ds(kk * 16, 16)] = q
            return carry

        lax.fori_loop(0, nch, qrow, None)

        def body(o, carry):
            c0 = o * NBUF
            g = [
                pltpu.async_copy(
                    table_hbm.at[idx_v.at[pl.ds((c0 + i) * CHUNK, CHUNK)]],
                    bufs[i],
                    sems[i],
                )
                for i in range(NBUF)
            ]
            st = []
            for i in range(NBUF):
                g[i].wait()
                st.append(
                    pltpu.async_copy(
                        bufs[i],
                        out_hbm.at[q_v.at[c0 + i]],
                        sems[i],
                    )
                )
            for cp in st:
                cp.wait()
            return carry

        lax.fori_loop(0, iters, body, None)

    return k


def kernel(labels, train, table):
    Bt, L = labels.shape
    lab_pad = jnp.pad(labels, ((0, 0), (0, LPAD - L)))
    V = table.shape[0] - 1
    t2 = table[:V].reshape(V // 2, 2 * HIDDEN)
    t2 = jax.lax.optimization_barrier(t2)
    t3 = t2.reshape(V, HIDDEN)
    k = _build(Bt, L, V)
    out = k(lab_pad, t3)
    ntile = L * HIDDEN // 128
    out4 = out.reshape(Bt // 8, ntile, 8, 128)
    return out4.transpose(0, 2, 1, 3).reshape(Bt, L * HIDDEN)

# --- scband reference (transcript-rebuilt; emitter-appended) ---
"""Pipeline reference for scband-label-embedder-49632642072737 (READ-ONLY COPY).

The authoritative reference and input builder live on the scoring server;
editing this copy changes nothing except your own understanding.
"""

import jax, jax.numpy as jnp
import numpy as np

NUM_CLASSES = 1000000
HIDDEN_SIZE = 64
DROPOUT_PROB = 0.1


def setup_inputs(seed: int = 0) -> dict:
    key = jax.random.key(seed)
    k1, k2 = jax.random.split(key)
    labels = jax.random.randint(k1, (16384, 20), 0, NUM_CLASSES).astype(jnp.int32)
    # embedding table has num_classes + 1 rows because dropout_prob > 0 adds a null-class row
    table = jax.random.normal(k2, (NUM_CLASSES + 1, HIDDEN_SIZE), dtype=jnp.float32)
    return {"labels": labels, "train": 0, "table": table}


def reference(labels, train, table):
    # train=0 (eval mode) and force_drop_ids=None, so token_drop is not applied.
    B, L = labels.shape
    emb = jnp.take(table, labels, axis=0)  # [B, L, H] gather (embedding lookup)
    return emb.reshape(B, -1)

if __name__ == "__main__":
    import jax
    _d = setup_inputs()
    print(jax.jit(kernel)(*tuple(_d.values())))

</pallas_src>

<mosaic_0001>
#map = affine_map<(d0, d1) -> (0, 0)>
module attributes {stable_mosaic.version = 14 : i64} {
  func.func @k(%arg0: i32, %arg1: i32, %arg2: memref<16384x128xi32, #tpu.memory_space<hbm>>, %arg3: memref<1000000x64xf32, #tpu.memory_space<hbm>>, %arg4: memref<327680x64xf32, #tpu.memory_space<hbm>>, %arg5: memref<512x32xi32, #tpu.memory_space<vmem>>, %arg6: memref<10240xi32, #tpu.memory_space<vmem>>, %arg7: memref<80x128xi32, #tpu.memory_space<vmem>>, %arg8: memref<128x64xf32, #tpu.memory_space<vmem>>, %arg9: memref<128x64xf32, #tpu.memory_space<vmem>>, %arg10: memref<128x64xf32, #tpu.memory_space<vmem>>, %arg11: memref<128x64xf32, #tpu.memory_space<vmem>>, %arg12: memref<128x64xf32, #tpu.memory_space<vmem>>, %arg13: memref<128x64xf32, #tpu.memory_space<vmem>>, %arg14: memref<128x64xf32, #tpu.memory_space<vmem>>, %arg15: memref<128x64xf32, #tpu.memory_space<vmem>>, %arg16: memref<!tpu.dma_semaphore, #tpu.memory_space<semaphore_mem>>, %arg17: memref<!tpu.dma_semaphore, #tpu.memory_space<semaphore_mem>>, %arg18: memref<!tpu.dma_semaphore, #tpu.memory_space<semaphore_mem>>, %arg19: memref<!tpu.dma_semaphore, #tpu.memory_space<semaphore_mem>>, %arg20: memref<!tpu.dma_semaphore, #tpu.memory_space<semaphore_mem>>, %arg21: memref<!tpu.dma_semaphore, #tpu.memory_space<semaphore_mem>>, %arg22: memref<!tpu.dma_semaphore, #tpu.memory_space<semaphore_mem>>, %arg23: memref<!tpu.dma_semaphore, #tpu.memory_space<semaphore_mem>>) attributes {dimension_semantics = [#tpu.dimension_semantics<core_parallel>, #tpu.dimension_semantics<subcore_parallel>], iteration_bounds = array<i64: 2, 16>, scalar_prefetch = 0 : i64, scratch_operands = 19 : i64, tpu.core_type = #tpu.core_type<sc_vector_subcore>, window_params = [{transform_indices = #map}, {transform_indices = #map}, {transform_indices = #map}]} {
    %mul3A = arith.constant 2 : i32
    %mul3A_0 = arith.muli %arg1, %mul3A : i32
    %add3A = arith.addi %mul3A_0, %arg0 : i32
    %mul3A_1 = arith.constant 512 : i32
    %mul3A_2 = arith.muli %add3A, %mul3A_1 : i32
    "tpu.region"() ({
      %run_scoped3A = tpu.sem_alloc : memref<!tpu.dma_semaphore, #tpu.memory_space<semaphore_mem>>
      %dma_start3A = arith.constant 0 : i32
      %dma_start3A_17 = tpu.memref_slice %arg2[%mul3A_2, %dma_start3A] : memref<16384x128xi32, #tpu.memory_space<hbm>> -> memref<512x32xi32, #tpu.memory_space<hbm>>
      %dma_start3A_18 = arith.constant 0 : i32
      %dma_start3A_19 = tpu.memref_slice %arg2[%mul3A_2, %dma_start3A_18] : memref<16384x128xi32, #tpu.memory_space<hbm>> -> memref<512x32xi32, #tpu.memory_space<hbm>>
      tpu.enqueue_dma source(%dma_start3A_19 : memref<512x32xi32, #tpu.memory_space<hbm>>) target(%arg5 : memref<512x32xi32, #tpu.memory_space<vmem>>) target_semaphore(%run_scoped3A : memref<!tpu.dma_semaphore, #tpu.memory_space<semaphore_mem>>)
      %dma_wait3A = arith.constant 0 : i32
      %dma_wait3A_20 = tpu.memref_slice %arg2[%mul3A_2, %dma_wait3A] : memref<16384x128xi32, #tpu.memory_space<hbm>> -> memref<512x32xi32, #tpu.memory_space<hbm>>
      %dma_wait3A_21 = arith.constant 0 : i32
      %dma_wait3A_22 = tpu.memref_slice %arg2[%mul3A_2, %dma_wait3A_21] : memref<16384x128xi32, #tpu.memory_space<hbm>> -> memref<512x32xi32, #tpu.memory_space<hbm>>
      tpu.wait_dma2 semaphore(%run_scoped3A : memref<!tpu.dma_semaphore, #tpu.memory_space<semaphore_mem>>) src(%dma_wait3A_22 : memref<512x32xi32, #tpu.memory_space<hbm>>) dst(%arg5 : memref<512x32xi32, #tpu.memory_space<vmem>>)
      tpu.yield
    }) : () -> ()
    %scan3A = arith.constant 0 : i32
    %scan3A_3 = arith.constant 512 : i32
    %scan3A_4 = arith.addi %scan3A, %scan3A_3 : i32
    %scan3A_5 = arith.constant 1 : i32
    scf.for %scan3A_17 = %scan3A to %scan3A_4 step %scan3A_5  : i32 {
      %get3A = arith.index_cast %scan3A_17 : i32 to index
      %get3A_18 = arith.constant 0 : index
      %get3A_19 = tpu.vector_load %arg5[%get3A, %get3A_18] {strides = array<i32>} : memref<512x32xi32, #tpu.memory_space<vmem>>, vector<1x16xi32>,
      %get3A_20 = vector.shape_cast %get3A_19 : vector<1x16xi32> to vector<16xi32>
      %mul3A_21 = arith.constant 20 : i32
      %mul3A_22 = arith.muli %scan3A_17, %mul3A_21 : i32
      %swap3A = arith.index_cast %mul3A_22 : i32 to index
      %swap3A_23 = tpu.vector_load %arg6[%swap3A] {strides = array<i32>} : memref<10240xi32, #tpu.memory_space<vmem>>, vector<16xi32>,
      %swap3A_24 = vector.shape_cast %swap3A_23 : vector<16xi32> to vector<16xi32>
      %swap3A_25 = vector.shape_cast %get3A_20 : vector<16xi32> to vector<16xi32>
      tpu.vector_store %arg6[%swap3A], %swap3A_25 {strides = array<i32>} : memref<10240xi32, #tpu.memory_space<vmem>>, vector<16xi32>,
      %get3A_26 = arith.index_cast %scan3A_17 : i32 to index
      %get3A_27 = arith.constant 4 : index
      %get3A_28 = tpu.vector_load %arg5[%get3A_26, %get3A_27] {strides = array<i32>} : memref<512x32xi32, #tpu.memory_space<vmem>>, vector<1x16xi32>,
      %get3A_29 = vector.shape_cast %get3A_28 : vector<1x16xi32> to vector<16xi32>
      %mul3A_30 = arith.constant 20 : i32
      %mul3A_31 = arith.muli %scan3A_17, %mul3A_30 : i32
      %add3A_32 = arith.constant 20 : i32
      %add3A_33 = arith.addi %mul3A_31, %add3A_32 : i32
      %sub3A = arith.constant 16 : i32
      %sub3A_34 = arith.subi %add3A_33, %sub3A : i32
      %swap3A_35 = arith.index_cast %sub3A_34 : i32 to index
      %swap3A_36 = tpu.vector_load %arg6[%swap3A_35] {strides = array<i32>} : memref<10240xi32, #tpu.memory_space<vmem>>, vector<16xi32>,
      %swap3A_37 = vector.shape_cast %swap3A_36 : vector<16xi32> to vector<16xi32>
      %swap3A_38 = vector.shape_cast %get3A_29 : vector<16xi32> to vector<16xi32>
      tpu.vector_store %arg6[%swap3A_35], %swap3A_38 {strides = array<i32>} : memref<10240xi32, #tpu.memory_space<vmem>>, vector<16xi32>,
    }
    %scan3A_6 = arith.constant 512 : i32
    %iota3A = tpu.iota {dimensions = array<i32: 0>} : vector<16xi32>
    %scan3A_7 = arith.constant 0 : i32
    %scan3A_8 = arith.constant 80 : i32
    %scan3A_9 = arith.addi %scan3A_7, %scan3A_8 : i32
    %scan3A_10 = arith.constant 1 : i32
    scf.for %scan3A_17 = %scan3A_7 to %scan3A_9 step %scan3A_10  : i32 {
      %mul3A_18 = arith.constant 128 : i32
      %mul3A_19 = arith.muli %scan3A_17, %mul3A_18 : i32
      %add3A_20 = arith.constant 0 : i32
      %add3A_21 = arith.addi %mul3A_19, %add3A_20 : i32
      %add3A_22 = vector.broadcast %add3A_21 : i32 to vector<16xi32>
      %add3A_23 = arith.addi %add3A_22, %iota3A : vector<16xi32>
      %mul3A_24 = arith.constant 3277 : i32
      %mul3A_25 = vector.broadcast %mul3A_24 : i32 to vector<16xi32>
      %mul3A_26 = arith.muli %add3A_23, %mul3A_25 : vector<16xi32>
      %shift_right_logical3A = arith.constant 16 : i32
      %shift_right_logical3A_27 = vector.broadcast %shift_right_logical3A : i32 to vector<16xi32>
      %shift_right_logical3A_28 = arith.shrui %mul3A_26, %shift_right_logical3A_27 : vector<16xi32>
      %mul3A_29 = arith.constant 20 : i32
      %mul3A_30 = vector.broadcast %mul3A_29 : i32 to vector<16xi32>
      %mul3A_31 = arith.muli %shift_right_logical3A_28, %mul3A_30 : vector<16xi32>
      %sub3A = arith.subi %add3A_23, %mul3A_31 : vector<16xi32>
      %mul3A_32 = arith.constant 10240 : i32
      %mul3A_33 = arith.muli %add3A, %mul3A_32 : i32
      %shift_right_logical3A_34 = arith.constant 3 : i32
      %shift_right_logical3A_35 = vector.broadcast %shift_right_logical3A_34 : i32 to vector<16xi32>
      %shift_right_logical3A_36 = arith.shrui %shift_right_logical3A_28, %shift_right_logical3A_35 : vector<16xi32>
      %mul3A_37 = arith.constant 160 : i32
      %mul3A_38 = vector.broadcast %mul3A_37 : i32 to vector<16xi32>
      %mul3A_39 = arith.muli %shift_right_logical3A_36, %mul3A_38 : vector<16xi32>
      %add3A_40 = vector.broadcast %mul3A_33 : i32 to vector<16xi32>
      %add3A_41 = arith.addi %add3A_40, %mul3A_39 : vector<16xi32>
      %and3A = arith.constant 7 : i32
      %and3A_42 = vector.broadcast %and3A : i32 to vector<16xi32>
      %and3A_43 = arith.andi %shift_right_logical3A_28, %and3A_42 : vector<16xi32>
      %mul3A_44 = arith.constant 2 : i32
      %mul3A_45 = vector.broadcast %mul3A_44 : i32 to vector<16xi32>
      %mul3A_46 = arith.muli %and3A_43, %mul3A_45 : vector<16xi32>
      %add3A_47 = arith.addi %add3A_41, %mul3A_46 : vector<16xi32>
      %shift_right_logical3A_48 = arith.constant 1 : i32
      %shift_right_logical3A_49 = vector.broadcast %shift_right_logical3A_48 : i32 to vector<16xi32>
      %shift_right_logical3A_50 = arith.shrui %sub3A, %shift_right_logical3A_49 : vector<16xi32>
      %mul3A_51 = arith.constant 16 : i32
      %mul3A_52 = vector.broadcast %mul3A_51 : i32 to vector<16xi32>
      %mul3A_53 = arith.muli %shift_right_logical3A_50, %mul3A_52 : vector<16xi32>
      %add3A_54 = arith.addi %add3A_47, %mul3A_53 : vector<16xi32>
      %and3A_55 = arith.constant 1 : i32
      %and3A_56 = vector.broadcast %and3A_55 : i32 to vector<16xi32>
      %and3A_57 = arith.andi %sub3A, %and3A_56 : vector<16xi32>
      %add3A_58 = arith.addi %add3A_54, %and3A_57 : vector<16xi32>
      %swap3A = arith.index_cast %scan3A_17 : i32 to index
      %swap3A_59 = arith.constant 0 : index
      %swap3A_60 = tpu.vector_load %arg7[%swap3A, %swap3A_59] {strides = array<i32>} : memref<80x128xi32, #tpu.memory_space<vmem>>, vector<1x16xi32>,
      %swap3A_61 = vector.shape_cast %swap3A_60 : vector<1x16xi32> to vector<16xi32>
      %swap3A_62 = vector.shape_cast %add3A_58 : vector<16xi32> to vector<1x16xi32>
      tpu.vector_store %arg7[%swap3A, %swap3A_59], %swap3A_62 {strides = array<i32>} : memref<80x128xi32, #tpu.memory_space<vmem>>, vector<1x16xi32>,
      %mul3A_63 = arith.constant 128 : i32
      %mul3A_64 = arith.muli %scan3A_17, %mul3A_63 : i32
      %add3A_65 = arith.constant 16 : i32
      %add3A_66 = arith.addi %mul3A_64, %add3A_65 : i32
      %add3A_67 = vector.broadcast %add3A_66 : i32 to vector<16xi32>
      %add3A_68 = arith.addi %add3A_67, %iota3A : vector<16xi32>
      %mul3A_69 = arith.constant 3277 : i32
      %mul3A_70 = vector.broadcast %mul3A_69 : i32 to vector<16xi32>
      %mul3A_71 = arith.muli %add3A_68, %mul3A_70 : vector<16xi32>
      %shift_right_logical3A_72 = arith.constant 16 : i32
      %shift_right_logical3A_73 = vector.broadcast %shift_right_logical3A_72 : i32 to vector<16xi32>
      %shift_right_logical3A_74 = arith.shrui %mul3A_71, %shift_right_logical3A_73 : vector<16xi32>
      %mul3A_75 = arith.constant 20 : i32
      %mul3A_76 = vector.broadcast %mul3A_75 : i32 to vector<16xi32>
      %mul3A_77 = arith.muli %shift_right_logical3A_74, %mul3A_76 : vector<16xi32>
      %sub3A_78 = arith.subi %add3A_68, %mul3A_77 : vector<16xi32>
      %mul3A_79 = arith.constant 10240 : i32
      %mul3A_80 = arith.muli %add3A, %mul3A_79 : i32
      %shift_right_logical3A_81 = arith.constant 3 : i32
      %shift_right_logical3A_82 = vector.broadcast %shift_right_logical3A_81 : i32 to vector<16xi32>
      %shift_right_logical3A_83 = arith.shrui %shift_right_logical3A_74, %shift_right_logical3A_82 : vector<16xi32>
      %mul3A_84 = arith.constant 160 : i32
      %mul3A_85 = vector.broadcast %mul3A_84 : i32 to vector<16xi32>
      %mul3A_86 = arith.muli %shift_right_logical3A_83, %mul3A_85 : vector<16xi32>
      %add3A_87 = vector.broadcast %mul3A_80 : i32 to vector<16xi32>
      %add3A_88 = arith.addi %add3A_87, %mul3A_86 : vector<16xi32>
      %and3A_89 = arith.constant 7 : i32
      %and3A_90 = vector.broadcast %and3A_89 : i32 to vector<16xi32>
      %and3A_91 = arith.andi %shift_right_logical3A_74, %and3A_90 : vector<16xi32>
      %mul3A_92 = arith.constant 2 : i32
      %mul3A_93 = vector.broadcast %mul3A_92 : i32 to vector<16xi32>
      %mul3A_94 = arith.muli %and3A_91, %mul3A_93 : vector<16xi32>
      %add3A_95 = arith.addi %add3A_88, %mul3A_94 : vector<16xi32>
      %shift_right_logical3A_96 = arith.constant 1 : i32
      %shift_right_logical3A_97 = vector.broadcast %shift_right_logical3A_96 : i32 to vector<16xi32>
      %shift_right_logical3A_98 = arith.shrui %sub3A_78, %shift_right_logical3A_97 : vector<16xi32>
      %mul3A_99 = arith.constant 16 : i32
      %mul3A_100 = vector.broadcast %mul3A_99 : i32 to vector<16xi32>
      %mul3A_101 = arith.muli %shift_right_logical3A_98, %mul3A_100 : vector<16xi32>
      %add3A_102 = arith.addi %add3A_95, %mul3A_101 : vector<16xi32>
      %and3A_103 = arith.constant 1 : i32
      %and3A_104 = vector.broadcast %and3A_103 : i32 to vector<16xi32>
      %and3A_105 = arith.andi %sub3A_78, %and3A_104 : vector<16xi32>
      %add3A_106 = arith.addi %add3A_102, %and3A_105 : vector<16xi32>
      %swap3A_107 = arith.index_cast %scan3A_17 : i32 to index
      %swap3A_108 = arith.constant 16 : index
      %swap3A_109 = tpu.vector_load %arg7[%swap3A_107, %swap3A_108] {strides = array<i32>} : memref<80x128xi32, #tpu.memory_space<vmem>>, vector<1x16xi32>,
      %swap3A_110 = vector.shape_cast %swap3A_109 : vector<1x16xi32> to vector<16xi32>
      %swap3A_111 = vector.shape_cast %add3A_106 : vector<16xi32> to vector<1x16xi32>
      tpu.vector_store %arg7[%swap3A_107, %swap3A_108], %swap3A_111 {strides = array<i32>} : memref<80x128xi32, #tpu.memory_space<vmem>>, vector<1x16xi32>,
      %mul3A_112 = arith.constant 128 : i32
      %mul3A_113 = arith.muli %scan3A_17, %mul3A_112 : i32
      %add3A_114 = arith.constant 32 : i32
      %add3A_115 = arith.addi %mul3A_113, %add3A_114 : i32
      %add3A_116 = vector.broadcast %add3A_115 : i32 to vector<16xi32>
      %add3A_117 = arith.addi %add3A_116, %iota3A : vector<16xi32>
      %mul3A_118 = arith.constant 3277 : i32
      %mul3A_119 = vector.broadcast %mul3A_118 : i32 to vector<16xi32>
      %mul3A_120 = arith.muli %add3A_117, %mul3A_119 : vector<16xi32>
      %shift_right_logical3A_121 = arith.constant 16 : i32
      %shift_right_logical3A_122 = vector.broadcast %shift_right_logical3A_121 : i32 to vector<16xi32>
      %shift_right_logical3A_123 = arith.shrui %mul3A_120, %shift_right_logical3A_122 : vector<16xi32>
      %mul3A_124 = arith.constant 20 : i32
      %mul3A_125 = vector.broadcast %mul3A_124 : i32 to vector<16xi32>
      %mul3A_126 = arith.muli %shift_right_logical3A_123, %mul3A_125 : vector<16xi32>
      %sub3A_127 = arith.subi %add3A_117, %mul3A_126 : vector<16xi32>
      %mul3A_128 = arith.constant 10240 : i32
      %mul3A_129 = arith.muli %add3A, %mul3A_128 : i32
      %shift_right_logical3A_130 = arith.constant 3 : i32
      %shift_right_logical3A_131 = vector.broadcast %shift_right_logical3A_130 : i32 to vector<16xi32>
      %shift_right_logical3A_132 = arith.shrui %shift_right_logical3A_123, %shift_right_logical3A_131 : vector<16xi32>
      %mul3A_133 = arith.constant 160 : i32
      %mul3A_134 = vector.broadcast %mul3A_133 : i32 to vector<16xi32>
      %mul3A_135 = arith.muli %shift_right_logical3A_132, %mul3A_134 : vector<16xi32>
      %add3A_136 = vector.broadcast %mul3A_129 : i32 to vector<16xi32>
      %add3A_137 = arith.addi %add3A_136, %mul3A_135 : vector<16xi32>
      %and3A_138 = arith.constant 7 : i32
      %and3A_139 = vector.broadcast %and3A_138 : i32 to vector<16xi32>
      %and3A_140 = arith.andi %shift_right_logical3A_123, %and3A_139 : vector<16xi32>
      %mul3A_141 = arith.constant 2 : i32
      %mul3A_142 = vector.broadcast %mul3A_141 : i32 to vector<16xi32>
      %mul3A_143 = arith.muli %and3A_140, %mul3A_142 : vector<16xi32>
      %add3A_144 = arith.addi %add3A_137, %mul3A_143 : vector<16xi32>
      %shift_right_logical3A_145 = arith.constant 1 : i32
      %shift_right_logical3A_146 = vector.broadcast %shift_right_logical3A_145 : i32 to vector<16xi32>
      %shift_right_logical3A_147 = arith.shrui %sub3A_127, %shift_right_logical3A_146 : vector<16xi32>
      %mul3A_148 = arith.constant 16 : i32
      %mul3A_149 = vector.broadcast %mul3A_148 : i32 to vector<16xi32>
      %mul3A_150 = arith.muli %shift_right_logical3A_147, %mul3A_149 : vector<16xi32>
      %add3A_151 = arith.addi %add3A_144, %mul3A_150 : vector<16xi32>
      %and3A_152 = arith.constant 1 : i32
      %and3A_153 = vector.broadcast %and3A_152 : i32 to vector<16xi32>
      %and3A_154 = arith.andi %sub3A_127, %and3A_153 : vector<16xi32>
      %add3A_155 = arith.addi %add3A_151, %and3A_154 : vector<16xi32>
      %swap3A_156 = arith.index_cast %scan3A_17 : i32 to index
      %swap3A_157 = arith.constant 32 : index
      %swap3A_158 = tpu.vector_load %arg7[%swap3A_156, %swap3A_157] {strides = array<i32>} : memref<80x128xi32, #tpu.memory_space<vmem>>, vector<1x16xi32>,
      %swap3A_159 = vector.shape_cast %swap3A_158 : vector<1x16xi32> to vector<16xi32>
      %swap3A_160 = vector.shape_cast %add3A_155 : vector<16xi32> to vector<1x16xi32>
      tpu.vector_store %arg7[%swap3A_156, %swap3A_157], %swap3A_160 {strides = array<i32>} : memref<80x128xi32, #tpu.memory_space<vmem>>, vector<1x16xi32>,
      %mul3A_161 = arith.constant 128 : i32
      %mul3A_162 = arith.muli %scan3A_17, %mul3A_161 : i32
      %add3A_163 = arith.constant 48 : i32
      %add3A_164 = arith.addi %mul3A_162, %add3A_163 : i32
      %add3A_165 = vector.broadcast %add3A_164 : i32 to vector<16xi32>
      %add3A_166 = arith.addi %add3A_165, %iota3A : vector<16xi32>
      %mul3A_167 = arith.constant 3277 : i32
      %mul3A_168 = vector.broadcast %mul3A_167 : i32 to vector<16xi32>
      %mul3A_169 = arith.muli %add3A_166, %mul3A_168 : vector<16xi32>
      %shift_right_logical3A_170 = arith.constant 16 : i32
      %shift_right_logical3A_171 = vector.broadcast %shift_right_logical3A_170 : i32 to vector<16xi32>
      %shift_right_logical3A_172 = arith.shrui %mul3A_169, %shift_right_logical3A_171 : vector<16xi32>
      %mul3A_173 = arith.constant 20 : i32
      %mul3A_174 = vector.broadcast %mul3A_173 : i32 to vector<16xi32>
      %mul3A_175 = arith.muli %shift_right_logical3A_172, %mul3A_174 : vector<16xi32>
      %sub3A_176 = arith.subi %add3A_166, %mul3A_175 : vector<16xi32>
      %mul3A_177 = arith.constant 10240 : i32
      %mul3A_178 = arith.muli %add3A, %mul3A_177 : i32
      %shift_right_logical3A_179 = arith.constant 3 : i32
      %shift_right_logical3A_180 = vector.broadcast %shift_right_logical3A_179 : i32 to vector<16xi32>
      %shift_right_logical3A_181 = arith.shrui %shift_right_logical3A_172, %shift_right_logical3A_180 : vector<16xi32>
      %mul3A_182 = arith.constant 160 : i32
      %mul3A_183 = vector.broadcast %mul3A_182 : i32 to vector<16xi32>
      %mul3A_184 = arith.muli %shift_right_logical3A_181, %mul3A_183 : vector<16xi32>
      %add3A_185 = vector.broadcast %mul3A_178 : i32 to vector<16xi32>
      %add3A_186 = arith.addi %add3A_185, %mul3A_184 : vector<16xi32>
      %and3A_187 = arith.constant 7 : i32
      %and3A_188 = vector.broadcast %and3A_187 : i32 to vector<16xi32>
      %and3A_189 = arith.andi %shift_right_logical3A_172, %and3A_188 : vector<16xi32>
      %mul3A_190 = arith.constant 2 : i32
      %mul3A_191 = vector.broadcast %mul3A_190 : i32 to vector<16xi32>
      %mul3A_192 = arith.muli %and3A_189, %mul3A_191 : vector<16xi32>
      %add3A_193 = arith.addi %add3A_186, %mul3A_192 : vector<16xi32>
      %shift_right_logical3A_194 = arith.constant 1 : i32
      %shift_right_logical3A_195 = vector.broadcast %shift_right_logical3A_194 : i32 to vector<16xi32>
      %shift_right_logical3A_196 = arith.shrui %sub3A_176, %shift_right_logical3A_195 : vector<16xi32>
      %mul3A_197 = arith.constant 16 : i32
      %mul3A_198 = vector.broadcast %mul3A_197 : i32 to vector<16xi32>
      %mul3A_199 = arith.muli %shift_right_logical3A_196, %mul3A_198 : vector<16xi32>
      %add3A_200 = arith.addi %add3A_193, %mul3A_199 : vector<16xi32>
      %and3A_201 = arith.constant 1 : i32
      %and3A_202 = vector.broadcast %and3A_201 : i32 to vector<16xi32>
      %and3A_203 = arith.andi %sub3A_176, %and3A_202 : vector<16xi32>
      %add3A_204 = arith.addi %add3A_200, %and3A_203 : vector<16xi32>
      %swap3A_205 = arith.index_cast %scan3A_17 : i32 to index
      %swap3A_206 = arith.constant 48 : index
      %swap3A_207 = tpu.vector_load %arg7[%swap3A_205, %swap3A_206] {strides = array<i32>} : memref<80x128xi32, #tpu.memory_space<vmem>>, vector<1x16xi32>,
      %swap3A_208 = vector.shape_cast %swap3A_207 : vector<1x16xi32> to vector<16xi32>
      %swap3A_209 = vector.shape_cast %add3A_204 : vector<16xi32> to vector<1x16xi32>
      tpu.vector_store %arg7[%swap3A_205, %swap3A_206], %swap3A_209 {strides = array<i32>} : memref<80x128xi32, #tpu.memory_space<vmem>>, vector<1x16xi32>,
      %mul3A_210 = arith.constant 128 : i32
      %mul3A_211 = arith.muli %scan3A_17, %mul3A_210 : i32
      %add3A_212 = arith.constant 64 : i32
      %add3A_213 = arith.addi %mul3A_211, %add3A_212 : i32
      %add3A_214 = vector.broadcast %add3A_213 : i32 to vector<16xi32>
      %add3A_215 = arith.addi %add3A_214, %iota3A : vector<16xi32>
      %mul3A_216 = arith.constant 3277 : i32
      %mul3A_217 = vector.broadcast %mul3A_216 : i32 to vector<16xi32>
      %mul3A_218 = arith.muli %add3A_215, %mul3A_217 : vector<16xi32>
      %shift_right_logical3A_219 = arith.constant 16 : i32
      %shift_right_logical3A_220 = vector.broadcast %shift_right_logical3A_219 : i32 to vector<16xi32>
      %shift_right_logical3A_221 = arith.shrui %mul3A_218, %shift_right_logical3A_220 : vector<16xi32>
      %mul3A_222 = arith.constant 20 : i32
      %mul3A_223 = vector.broadcast %mul3A_222 : i32 to vector<16xi32>
      %mul3A_224 = arith.muli %shift_right_logical3A_221, %mul3A_223 : vector<16xi32>
      %sub3A_225 = arith.subi %add3A_215, %mul3A_224 : vector<16xi32>
      %mul3A_226 = arith.constant 10240 : i32
      %mul3A_227 = arith.muli %add3A, %mul3A_226 : i32
      %shift_right_logical3A_228 = arith.constant 3 : i32
      %shift_right_logical3A_229 = vector.broadcast %shift_right_logical3A_228 : i32 to vector<16xi32>
      %shift_right_logical3A_230 = arith.shrui %shift_right_logical3A_221, %shift_right_logical3A_229 : vector<16xi32>
      %mul3A_231 = arith.constant 160 : i32
      %mul3A_232 = vector.broadcast %mul3A_231 : i32 to vector<16xi32>
      %mul3A_233 = arith.muli %shift_right_logical3A_230, %mul3A_232 : vector<16xi32>
      %add3A_234 = vector.broadcast %mul3A_227 : i32 to vector<16xi32>
      %add3A_235 = arith.addi %add3A_234, %mul3A_233 : vector<16xi32>
      %and3A_236 = arith.constant 7 : i32
      %and3A_237 = vector.broadcast %and3A_236 : i32 to vector<16xi32>
      %and3A_238 = arith.andi %shift_right_logical3A_221, %and3A_237 : vector<16xi32>
      %mul3A_239 = arith.constant 2 : i32
      %mul3A_240 = vector.broadcast %mul3A_239 : i32 to vector<16xi32>
      %mul3A_241 = arith.muli %and3A_238, %mul3A_240 : vector<16xi32>
      %add3A_242 = arith.addi %add3A_235, %mul3A_241 : vector<16xi32>
      %shift_right_logical3A_243 = arith.constant 1 : i32
      %shift_right_logical3A_244 = vector.broadcast %shift_right_logical3A_243 : i32 to vector<16xi32>
      %shift_right_logical3A_245 = arith.shrui %sub3A_225, %shift_right_logical3A_244 : vector<16xi32>
      %mul3A_246 = arith.constant 16 : i32
      %mul3A_247 = vector.broadcast %mul3A_246 : i32 to vector<16xi32>
      %mul3A_248 = arith.muli %shift_right_logical3A_245, %mul3A_247 : vector<16xi32>
      %add3A_249 = arith.addi %add3A_242, %mul3A_248 : vector<16xi32>
      %and3A_250 = arith.constant 1 : i32
      %and3A_251 = vector.broadcast %and3A_250 : i32 to vector<16xi32>
      %and3A_252 = arith.andi %sub3A_225, %and3A_251 : vector<16xi32>
      %add3A_253 = arith.addi %add3A_249, %and3A_252 : vector<16xi32>
      %swap3A_254 = arith.index_cast %scan3A_17 : i32 to index
      %swap3A_255 = arith.constant 64 : index
      %swap3A_256 = tpu.vector_load %arg7[%swap3A_254, %swap3A_255] {strides = array<i32>} : memref<80x128xi32, #tpu.memory_space<vmem>>, vector<1x16xi32>,
      %swap3A_257 = vector.shape_cast %swap3A_256 : vector<1x16xi32> to vector<16xi32>
      %swap3A_258 = vector.shape_cast %add3A_253 : vector<16xi32> to vector<1x16xi32>
      tpu.vector_store %arg7[%swap3A_254, %swap3A_255], %swap3A_258 {strides = array<i32>} : memref<80x128xi32, #tpu.memory_space<vmem>>, vector<1x16xi32>,
      %mul3A_259 = arith.constant 128 : i32
      %mul3A_260 = arith.muli %scan3A_17, %mul3A_259 : i32
      %add3A_261 = arith.constant 80 : i32
      %add3A_262 = arith.addi %mul3A_260, %add3A_261 : i32
      %add3A_263 = vector.broadcast %add3A_262 : i32 to vector<16xi32>
      %add3A_264 = arith.addi %add3A_263, %iota3A : vector<16xi32>
      %mul3A_265 = arith.constant 3277 : i32
      %mul3A_266 = vector.broadcast %mul3A_265 : i32 to vector<16xi32>
      %mul3A_267 = arith.muli %add3A_264, %mul3A_266 : vector<16xi32>
      %shift_right_logical3A_268 = arith.constant 16 : i32
      %shift_right_logical3A_269 = vector.broadcast %shift_right_logical3A_268 : i32 to vector<16xi32>
      %shift_right_logical3A_270 = arith.shrui %mul3A_267, %shift_right_logical3A_269 : vector<16xi32>
      %mul3A_271 = arith.constant 20 : i32
      %mul3A_272 = vector.broadcast %mul3A_271 : i32 to vector<16xi32>
      %mul3A_273 = arith.muli %shift_right_logical3A_270, %mul3A_272 : vector<16xi32>
      %sub3A_274 = arith.subi %add3A_264, %mul3A_273 : vector<16xi32>
      %mul3A_275 = arith.constant 10240 : i32
      %mul3A_276 = arith.muli %add3A, %mul3A_275 : i32
      %shift_right_logical3A_277 = arith.constant 3 : i32
      %shift_right_logical3A_278 = vector.broadcast %shift_right_logical3A_277 : i32 to vector<16xi32>
      %shift_right_logical3A_279 = arith.shrui %shift_right_logical3A_270, %shift_right_logical3A_278 : vector<16xi32>
      %mul3A_280 = arith.constant 160 : i32
      %mul3A_281 = vector.broadcast %mul3A_280 : i32 to vector<16xi32>
      %mul3A_282 = arith.muli %shift_right_logical3A_279, %mul3A_281 : vector<16xi32>
      %add3A_283 = vector.broadcast %mul3A_276 : i32 to vector<16xi32>
      %add3A_284 = arith.addi %add3A_283, %mul3A_282 : vector<16xi32>
      %and3A_285 = arith.constant 7 : i32
      %and3A_286 = vector.broadcast %and3A_285 : i32 to vector<16xi32>
      %and3A_287 = arith.andi %shift_right_logical3A_270, %and3A_286 : vector<16xi32>
      %mul3A_288 = arith.constant 2 : i32
      %mul3A_289 = vector.broadcast %mul3A_288 : i32 to vector<16xi32>
      %mul3A_290 = arith.muli %and3A_287, %mul3A_289 : vector<16xi32>
      %add3A_291 = arith.addi %add3A_284, %mul3A_290 : vector<16xi32>
      %shift_right_logical3A_292 = arith.constant 1 : i32
      %shift_right_logical3A_293 = vector.broadcast %shift_right_logical3A_292 : i32 to vector<16xi32>
      %shift_right_logical3A_294 = arith.shrui %sub3A_274, %shift_right_logical3A_293 : vector<16xi32>
      %mul3A_295 = arith.constant 16 : i32
      %mul3A_296 = vector.broadcast %mul3A_295 : i32 to vector<16xi32>
      %mul3A_297 = arith.muli %shift_right_logical3A_294, %mul3A_296 : vector<16xi32>
      %add3A_298 = arith.addi %add3A_291, %mul3A_297 : vector<16xi32>
      %and3A_299 = arith.constant 1 : i32
      %and3A_300 = vector.broadcast %and3A_299 : i32 to vector<16xi32>
      %and3A_301 = arith.andi %sub3A_274, %and3A_300 : vector<16xi32>
      %add3A_302 = arith.addi %add3A_298, %and3A_301 : vector<16xi32>
      %swap3A_303 = arith.index_cast %scan3A_17 : i32 to index
      %swap3A_304 = arith.constant 80 : index
      %swap3A_305 = tpu.vector_load %arg7[%swap3A_303, %swap3A_304] {strides = array<i32>} : memref<80x128xi32, #tpu.memory_space<vmem>>, vector<1x16xi32>,
      %swap3A_306 = vector.shape_cast %swap3A_305 : vector<1x16xi32> to vector<16xi32>
      %swap3A_307 = vector.shape_cast %add3A_302 : vector<16xi32> to vector<1x16xi32>
      tpu.vector_store %arg7[%swap3A_303, %swap3A_304], %swap3A_307 {strides = array<i32>} : memref<80x128xi32, #tpu.memory_space<vmem>>, vector<1x16xi32>,
      %mul3A_308 = arith.constant 128 : i32
      %mul3A_309 = arith.muli %scan3A_17, %mul3A_308 : i32
      %add3A_310 = arith.constant 96 : i32
      %add3A_311 = arith.addi %mul3A_309, %add3A_310 : i32
      %add3A_312 = vector.broadcast %add3A_311 : i32 to vector<16xi32>
      %add3A_313 = arith.addi %add3A_312, %iota3A : vector<16xi32>
      %mul3A_314 = arith.constant 3277 : i32
      %mul3A_315 = vector.broadcast %mul3A_314 : i32 to vector<16xi32>
      %mul3A_316 = arith.muli %add3A_313, %mul3A_315 : vector<16xi32>
      %shift_right_logical3A_317 = arith.constant 16 : i32
      %shift_right_logical3A_318 = vector.broadcast %shift_right_logical3A_317 : i32 to vector<16xi32>
      %shift_right_logical3A_319 = arith.shrui %mul3A_316, %shift_right_logical3A_318 : vector<16xi32>
      %mul3A_320 = arith.constant 20 : i32
      %mul3A_321 = vector.broadcast %mul3A_320 : i32 to vector<16xi32>
      %mul3A_322 = arith.muli %shift_right_logical3A_319, %mul3A_321 : vector<16xi32>
      %sub3A_323 = arith.subi %add3A_313, %mul3A_322 : vector<16xi32>
      %mul3A_324 = arith.constant 10240 : i32
      %mul3A_325 = arith.muli %add3A, %mul3A_324 : i32
      %shift_right_logical3A_326 = arith.constant 3 : i32
      %shift_right_logical3A_327 = vector.broadcast %shift_right_logical3A_326 : i32 to vector<16xi32>
      %shift_right_logical3A_328 = arith.shrui %shift_right_logical3A_319, %shift_right_logical3A_327 : vector<16xi32>
      %mul3A_329 = arith.constant 160 : i32
      %mul3A_330 = vector.broadcast %mul3A_329 : i32 to vector<16xi32>
      %mul3A_331 = arith.muli %shift_right_logical3A_328, %mul3A_330 : vector<16xi32>
      %add3A_332 = vector.broadcast %mul3A_325 : i32 to vector<16xi32>
      %add3A_333 = arith.addi %add3A_332, %mul3A_331 : vector<16xi32>
      %and3A_334 = arith.constant 7 : i32
      %and3A_335 = vector.broadcast %and3A_334 : i32 to vector<16xi32>
      %and3A_336 = arith.andi %shift_right_logical3A_319, %and3A_335 : vector<16xi32>
      %mul3A_337 = arith.constant 2 : i32
      %mul3A_338 = vector.broadcast %mul3A_337 : i32 to vector<16xi32>
      %mul3A_339 = arith.muli %and3A_336, %mul3A_338 : vector<16xi32>
      %add3A_340 = arith.addi %add3A_333, %mul3A_339 : vector<16xi32>
      %shift_right_logical3A_341 = arith.constant 1 : i32
      %shift_right_logical3A_342 = vector.broadcast %shift_right_logical3A_341 : i32 to vector<16xi32>
      %shift_right_logical3A_343 = arith.shrui %sub3A_323, %shift_right_logical3A_342 : vector<16xi32>
      %mul3A_344 = arith.constant 16 : i32
      %mul3A_345 = vector.broadcast %mul3A_344 : i32 to vector<16xi32>
      %mul3A_346 = arith.muli %shift_right_logical3A_343, %mul3A_345 : vector<16xi32>
      %add3A_347 = arith.addi %add3A_340, %mul3A_346 : vector<16xi32>
      %and3A_348 = arith.constant 1 : i32
      %and3A_349 = vector.broadcast %and3A_348 : i32 to vector<16xi32>
      %and3A_350 = arith.andi %sub3A_323, %and3A_349 : vector<16xi32>
      %add3A_351 = arith.addi %add3A_347, %and3A_350 : vector<16xi32>
      %swap3A_352 = arith.index_cast %scan3A_17 : i32 to index
      %swap3A_353 = arith.constant 96 : index
      %swap3A_354 = tpu.vector_load %arg7[%swap3A_352, %swap3A_353] {strides = array<i32>} : memref<80x128xi32, #tpu.memory_space<vmem>>, vector<1x16xi32>,
      %swap3A_355 = vector.shape_cast %swap3A_354 : vector<1x16xi32> to vector<16xi32>
      %swap3A_356 = vector.shape_cast %add3A_351 : vector<16xi32> to vector<1x16xi32>
      tpu.vector_store %arg7[%swap3A_352, %swap3A_353], %swap3A_356 {strides = array<i32>} : memref<80x128xi32, #tpu.memory_space<vmem>>, vector<1x16xi32>,
      %mul3A_357 = arith.constant 128 : i32
      %mul3A_358 = arith.muli %scan3A_17, %mul3A_357 : i32
      %add3A_359 = arith.constant 112 : i32
      %add3A_360 = arith.addi %mul3A_358, %add3A_359 : i32
      %add3A_361 = vector.broadcast %add3A_360 : i32 to vector<16xi32>
      %add3A_362 = arith.addi %add3A_361, %iota3A : vector<16xi32>
      %mul3A_363 = arith.constant 3277 : i32
      %mul3A_364 = vector.broadcast %mul3A_363 : i32 to vector<16xi32>
      %mul3A_365 = arith.muli %add3A_362, %mul3A_364 : vector<16xi32>
      %shift_right_logical3A_366 = arith.constant 16 : i32
      %shift_right_logical3A_367 = vector.broadcast %shift_right_logical3A_366 : i32 to vector<16xi32>
      %shift_right_logical3A_368 = arith.shrui %mul3A_365, %shift_right_logical3A_367 : vector<16xi32>
      %mul3A_369 = arith.constant 20 : i32
      %mul3A_370 = vector.broadcast %mul3A_369 : i32 to vector<16xi32>
      %mul3A_371 = arith.muli %shift_right_logical3A_368, %mul3A_370 : vector<16xi32>
      %sub3A_372 = arith.subi %add3A_362, %mul3A_371 : vector<16xi32>
      %mul3A_373 = arith.constant 10240 : i32
      %mul3A_374 = arith.muli %add3A, %mul3A_373 : i32
      %shift_right_logical3A_375 = arith.constant 3 : i32
      %shift_right_logical3A_376 = vector.broadcast %shift_right_logical3A_375 : i32 to vector<16xi32>
      %shift_right_logical3A_377 = arith.shrui %shift_right_logical3A_368, %shift_right_logical3A_376 : vector<16xi32>
      %mul3A_378 = arith.constant 160 : i32
      %mul3A_379 = vector.broadcast %mul3A_378 : i32 to vector<16xi32>
      %mul3A_380 = arith.muli %shift_right_logical3A_377, %mul3A_379 : vector<16xi32>
      %add3A_381 = vector.broadcast %mul3A_374 : i32 to vector<16xi32>
      %add3A_382 = arith.addi %add3A_381, %mul3A_380 : vector<16xi32>
      %and3A_383 = arith.constant 7 : i32
      %and3A_384 = vector.broadcast %and3A_383 : i32 to vector<16xi32>
      %and3A_385 = arith.andi %shift_right_logical3A_368, %and3A_384 : vector<16xi32>
      %mul3A_386 = arith.constant 2 : i32
      %mul3A_387 = vector.broadcast %mul3A_386 : i32 to vector<16xi32>
      %mul3A_388 = arith.muli %and3A_385, %mul3A_387 : vector<16xi32>
      %add3A_389 = arith.addi %add3A_382, %mul3A_388 : vector<16xi32>
      %shift_right_logical3A_390 = arith.constant 1 : i32
      %shift_right_logical3A_391 = vector.broadcast %shift_right_logical3A_390 : i32 to vector<16xi32>
      %shift_right_logical3A_392 = arith.shrui %sub3A_372, %shift_right_logical3A_391 : vector<16xi32>
      %mul3A_393 = arith.constant 16 : i32
      %mul3A_394 = vector.broadcast %mul3A_393 : i32 to vector<16xi32>
      %mul3A_395 = arith.muli %shift_right_logical3A_392, %mul3A_394 : vector<16xi32>
      %add3A_396 = arith.addi %add3A_389, %mul3A_395 : vector<16xi32>
      %and3A_397 = arith.constant 1 : i32
      %and3A_398 = vector.broadcast %and3A_397 : i32 to vector<16xi32>
      %and3A_399 = arith.andi %sub3A_372, %and3A_398 : vector<16xi32>
      %add3A_400 = arith.addi %add3A_396, %and3A_399 : vector<16xi32>
      %swap3A_401 = arith.index_cast %scan3A_17 : i32 to index
      %swap3A_402 = arith.constant 112 : index
      %swap3A_403 = tpu.vector_load %arg7[%swap3A_401, %swap3A_402] {strides = array<i32>} : memref<80x128xi32, #tpu.memory_space<vmem>>, vector<1x16xi32>,
      %swap3A_404 = vector.shape_cast %swap3A_403 : vector<1x16xi32> to vector<16xi32>
      %swap3A_405 = vector.shape_cast %add3A_400 : vector<16xi32> to vector<1x16xi32>
      tpu.vector_store %arg7[%swap3A_401, %swap3A_402], %swap3A_405 {strides = array<i32>} : memref<80x128xi32, #tpu.memory_space<vmem>>, vector<1x16xi32>,
    }
    %scan3A_11 = arith.constant 80 : i32
    %scan3A_12 = arith.constant 0 : i32
    %scan3A_13 = arith.constant 10 : i32
    %scan3A_14 = arith.addi %scan3A_12, %scan3A_13 : i32
    %scan3A_15 = arith.constant 1 : i32
    scf.for %scan3A_17 = %scan3A_12 to %scan3A_14 step %scan3A_15  : i32 {
      %mul3A_18 = arith.constant 8 : i32
      %mul3A_19 = arith.muli %scan3A_17, %mul3A_18 : i32
      %add3A_20 = arith.constant 0 : i32
      %add3A_21 = arith.addi %mul3A_19, %add3A_20 : i32
      %mul3A_22 = arith.constant 128 : i32
      %mul3A_23 = arith.muli %add3A_21, %mul3A_22 : i32
      %dma_start3A = tpu.memref_slice %arg6[%mul3A_23] : memref<10240xi32, #tpu.memory_space<vmem>> -> memref<128xi32, #tpu.memory_space<vmem>>
      %dma_start3A_24 = arith.constant 0 : i32
      %dma_start3A_25 = arith.constant 0 : i32
      %dma_start3A_26 = tpu.memref_slice %arg3[%dma_start3A_24, %dma_start3A_25] : memref<1000000x64xf32, #tpu.memory_space<hbm>> -> memref<1000000x64xf32, #tpu.memory_space<hbm>>
      tpu.enqueue_indirect_dma source(%dma_start3A_26 : memref<1000000x64xf32, #tpu.memory_space<hbm>>) target(%arg8 : memref<128x64xf32, #tpu.memory_space<vmem>>) offsets(%dma_start3A : memref<128xi32, #tpu.memory_space<vmem>>) semaphore(%arg16 : memref<!tpu.dma_semaphore, #tpu.memory_space<semaphore_mem>>)
      %add3A_27 = arith.constant 1 : i32
      %add3A_28 = arith.addi %mul3A_19, %add3A_27 : i32
      %mul3A_29 = arith.constant 128 : i32
      %mul3A_30 = arith.muli %add3A_28, %mul3A_29 : i32
      %dma_start3A_31 = tpu.memref_slice %arg6[%mul3A_30] : memref<10240xi32, #tpu.memory_space<vmem>> -> memref<128xi32, #tpu.memory_space<vmem>>
      %dma_start3A_32 = arith.constant 0 : i32
      %dma_start3A_33 = arith.constant 0 : i32
      %dma_start3A_34 = tpu.memref_slice %arg3[%dma_start3A_32, %dma_start3A_33] : memref<1000000x64xf32, #tpu.memory_space<hbm>> -> memref<1000000x64xf32, #tpu.memory_space<hbm>>
      tpu.enqueue_indirect_dma source(%dma_start3A_34 : memref<1000000x64xf32, #tpu.memory_space<hbm>>) target(%arg9 : memref<128x64xf32, #tpu.memory_space<vmem>>) offsets(%dma_start3A_31 : memref<128xi32, #tpu.memory_space<vmem>>) semaphore(%arg17 : memref<!tpu.dma_semaphore, #tpu.memory_space<semaphore_mem>>)
      %add3A_35 = arith.constant 2 : i32
      %add3A_36 = arith.addi %mul3A_19, %add3A_35 : i32
      %mul3A_37 = arith.constant 128 : i32
      %mul3A_38 = arith.muli %add3A_36, %mul3A_37 : i32
      %dma_start3A_39 = tpu.memref_slice %arg6[%mul3A_38] : memref<10240xi32, #tpu.memory_space<vmem>> -> memref<128xi32, #tpu.memory_space<vmem>>
      %dma_start3A_40 = arith.constant 0 : i32
      %dma_start3A_41 = arith.constant 0 : i32
      %dma_start3A_42 = tpu.memref_slice %arg3[%dma_start3A_40, %dma_start3A_41] : memref<1000000x64xf32, #tpu.memory_space<hbm>> -> memref<1000000x64xf32, #tpu.memory_space<hbm>>
      tpu.enqueue_indirect_dma source(%dma_start3A_42 : memref<1000000x64xf32, #tpu.memory_space<hbm>>) target(%arg10 : memref<128x64xf32, #tpu.memory_space<vmem>>) offsets(%dma_start3A_39 : memref<128xi32, #tpu.memory_space<vmem>>) semaphore(%arg18 : memref<!tpu.dma_semaphore, #tpu.memory_space<semaphore_mem>>)
      %add3A_43 = arith.constant 3 : i32
      %add3A_44 = arith.addi %mul3A_19, %add3A_43 : i32
      %mul3A_45 = arith.constant 128 : i32
      %mul3A_46 = arith.muli %add3A_44, %mul3A_45 : i32
      %dma_start3A_47 = tpu.memref_slice %arg6[%mul3A_46] : memref<10240xi32, #tpu.memory_space<vmem>> -> memref<128xi32, #tpu.memory_space<vmem>>
      %dma_start3A_48 = arith.constant 0 : i32
      %dma_start3A_49 = arith.constant 0 : i32
      %dma_start3A_50 = tpu.memref_slice %arg3[%dma_start3A_48, %dma_start3A_49] : memref<1000000x64xf32, #tpu.memory_space<hbm>> -> memref<1000000x64xf32, #tpu.memory_space<hbm>>
      tpu.enqueue_indirect_dma source(%dma_start3A_50 : memref<1000000x64xf32, #tpu.memory_space<hbm>>) target(%arg11 : memref<128x64xf32, #tpu.memory_space<vmem>>) offsets(%dma_start3A_47 : memref<128xi32, #tpu.memory_space<vmem>>) semaphore(%arg19 : memref<!tpu.dma_semaphore, #tpu.memory_space<semaphore_mem>>)
      %add3A_51 = arith.constant 4 : i32
      %add3A_52 = arith.addi %mul3A_19, %add3A_51 : i32
      %mul3A_53 = arith.constant 128 : i32
      %mul3A_54 = arith.muli %add3A_52, %mul3A_53 : i32
      %dma_start3A_55 = tpu.memref_slice %arg6[%mul3A_54] : memref<10240xi32, #tpu.memory_space<vmem>> -> memref<128xi32, #tpu.memory_space<vmem>>
      %dma_start3A_56 = arith.constant 0 : i32
      %dma_start3A_57 = arith.constant 0 : i32
      %dma_start3A_58 = tpu.memref_slice %arg3[%dma_start3A_56, %dma_start3A_57] : memref<1000000x64xf32, #tpu.memory_space<hbm>> -> memref<1000000x64xf32, #tpu.memory_space<hbm>>
      tpu.enqueue_indirect_dma source(%dma_start3A_58 : memref<1000000x64xf32, #tpu.memory_space<hbm>>) target(%arg12 : memref<128x64xf32, #tpu.memory_space<vmem>>) offsets(%dma_start3A_55 : memref<128xi32, #tpu.memory_space<vmem>>) semaphore(%arg20 : memref<!tpu.dma_semaphore, #tpu.memory_space<semaphore_mem>>)
      %add3A_59 = arith.constant 5 : i32
      %add3A_60 = arith.addi %mul3A_19, %add3A_59 : i32
      %mul3A_61 = arith.constant 128 : i32
      %mul3A_62 = arith.muli %add3A_60, %mul3A_61 : i32
      %dma_start3A_63 = tpu.memref_slice %arg6[%mul3A_62] : memref<10240xi32, #tpu.memory_space<vmem>> -> memref<128xi32, #tpu.memory_space<vmem>>
      %dma_start3A_64 = arith.constant 0 : i32
      %dma_start3A_65 = arith.constant 0 : i32
      %dma_start3A_66 = tpu.memref_slice %arg3[%dma_start3A_64, %dma_start3A_65] : memref<1000000x64xf32, #tpu.memory_space<hbm>> -> memref<1000000x64xf32, #tpu.memory_space<hbm>>
      tpu.enqueue_indirect_dma source(%dma_start3A_66 : memref<1000000x64xf32, #tpu.memory_space<hbm>>) target(%arg13 : memref<128x64xf32, #tpu.memory_space<vmem>>) offsets(%dma_start3A_63 : memref<128xi32, #tpu.memory_space<vmem>>) semaphore(%arg21 : memref<!tpu.dma_semaphore, #tpu.memory_space<semaphore_mem>>)
      %add3A_67 = arith.constant 6 : i32
      %add3A_68 = arith.addi %mul3A_19, %add3A_67 : i32
      %mul3A_69 = arith.constant 128 : i32
      %mul3A_70 = arith.muli %add3A_68, %mul3A_69 : i32
      %dma_start3A_71 = tpu.memref_slice %arg6[%mul3A_70] : memref<10240xi32, #tpu.memory_space<vmem>> -> memref<128xi32, #tpu.memory_space<vmem>>
      %dma_start3A_72 = arith.constant 0 : i32
      %dma_start3A_73 = arith.constant 0 : i32
      %dma_start3A_74 = tpu.memref_slice %arg3[%dma_start3A_72, %dma_start3A_73] : memref<1000000x64xf32, #tpu.memory_space<hbm>> -> memref<1000000x64xf32, #tpu.memory_space<hbm>>
      tpu.enqueue_indirect_dma source(%dma_start3A_74 : memref<1000000x64xf32, #tpu.memory_space<hbm>>) target(%arg14 : memref<128x64xf32, #tpu.memory_space<vmem>>) offsets(%dma_start3A_71 : memref<128xi32, #tpu.memory_space<vmem>>) semaphore(%arg22 : memref<!tpu.dma_semaphore, #tpu.memory_space<semaphore_mem>>)
      %add3A_75 = arith.constant 7 : i32
      %add3A_76 = arith.addi %mul3A_19, %add3A_75 : i32
      %mul3A_77 = arith.constant 128 : i32
      %mul3A_78 = arith.muli %add3A_76, %mul3A_77 : i32
      %dma_start3A_79 = tpu.memref_slice %arg6[%mul3A_78] : memref<10240xi32, #tpu.memory_space<vmem>> -> memref<128xi32, #tpu.memory_space<vmem>>
      %dma_start3A_80 = arith.constant 0 : i32
      %dma_start3A_81 = arith.constant 0 : i32
      %dma_start3A_82 = tpu.memref_slice %arg3[%dma_start3A_80, %dma_start3A_81] : memref<1000000x64xf32, #tpu.memory_space<hbm>> -> memref<1000000x64xf32, #tpu.memory_space<hbm>>
      tpu.enqueue_indirect_dma source(%dma_start3A_82 : memref<1000000x64xf32, #tpu.memory_space<hbm>>) target(%arg15 : memref<128x64xf32, #tpu.memory_space<vmem>>) offsets(%dma_start3A_79 : memref<128xi32, #tpu.memory_space<vmem>>) semaphore(%arg23 : memref<!tpu.dma_semaphore, #tpu.memory_space<semaphore_mem>>)
      %dma_wait3A = tpu.memref_slice %arg6[%mul3A_23] : memref<10240xi32, #tpu.memory_space<vmem>> -> memref<128xi32, #tpu.memory_space<vmem>>
      %dma_wait3A_83 = arith.constant 0 : i32
      %dma_wait3A_84 = arith.constant 0 : i32
      %dma_wait3A_85 = tpu.memref_slice %arg3[%dma_wait3A_83, %dma_wait3A_84] : memref<1000000x64xf32, #tpu.memory_space<hbm>> -> memref<1000000x64xf32, #tpu.memory_space<hbm>>
      tpu.wait_indirect_dma semaphore(%arg16 : memref<!tpu.dma_semaphore, #tpu.memory_space<semaphore_mem>>) src(%dma_wait3A_85 : memref<1000000x64xf32, #tpu.memory_space<hbm>>) dst(%arg8 : memref<128x64xf32, #tpu.memory_space<vmem>>)
      %add3A_86 = arith.constant 0 : i32
      %add3A_87 = arith.addi %mul3A_19, %add3A_86 : i32
      %dma_start3A_88 = arith.constant 0 : i32
      %dma_start3A_89 = tpu.memref_slice %arg7[%add3A_87, %dma_start3A_88] : memref<80x128xi32, #tpu.memory_space<vmem>> -> memref<1x128xi32, #tpu.memory_space<vmem>>
      %dma_start3A_90 = tpu.memref_squeeze %dma_start3A_89 : memref<1x128xi32, #tpu.memory_space<vmem>> -> memref<128xi32, #tpu.memory_space<vmem>>
      %dma_start3A_91 = arith.constant 0 : i32
      %dma_start3A_92 = arith.constant 0 : i32
      %dma_start3A_93 = tpu.memref_slice %arg4[%dma_start3A_91, %dma_start3A_92] : memref<327680x64xf32, #tpu.memory_space<hbm>> -> memref<327680x64xf32, #tpu.memory_space<hbm>>
      tpu.enqueue_indirect_dma source(%arg8 : memref<128x64xf32, #tpu.memory_space<vmem>>) target(%dma_start3A_93 : memref<327680x64xf32, #tpu.memory_space<hbm>>) offsets(%dma_start3A_90 : memref<128xi32, #tpu.memory_space<vmem>>) semaphore(%arg16 : memref<!tpu.dma_semaphore, #tpu.memory_space<semaphore_mem>>)
      %dma_wait3A_94 = tpu.memref_slice %arg6[%mul3A_30] : memref<10240xi32, #tpu.memory_space<vmem>> -> memref<128xi32, #tpu.memory_space<vmem>>
      %dma_wait3A_95 = arith.constant 0 : i32
      %dma_wait3A_96 = arith.constant 0 : i32
      %dma_wait3A_97 = tpu.memref_slice %arg3[%dma_wait3A_95, %dma_wait3A_96] : memref<1000000x64xf32, #tpu.memory_space<hbm>> -> memref<1000000x64xf32, #tpu.memory_space<hbm>>
      tpu.wait_indirect_dma semaphore(%arg17 : memref<!tpu.dma_semaphore, #tpu.memory_space<semaphore_mem>>) src(%dma_wait3A_97 : memref<1000000x64xf32, #tpu.memory_space<hbm>>) dst(%arg9 : memref<128x64xf32, #tpu.memory_space<vmem>>)
      %add3A_98 = arith.constant 1 : i32
      %add3A_99 = arith.addi %mul3A_19, %add3A_98 : i32
      %dma_start3A_100 = arith.constant 0 : i32
      %dma_start3A_101 = tpu.memref_slice %arg7[%add3A_99, %dma_start3A_100] : memref<80x128xi32, #tpu.memory_space<vmem>> -> memref<1x128xi32, #tpu.memory_space<vmem>>
      %dma_start3A_102 = tpu.memref_squeeze %dma_start3A_101 : memref<1x128xi32, #tpu.memory_space<vmem>> -> memref<128xi32, #tpu.memory_space<vmem>>
      %dma_start3A_103 = arith.constant 0 : i32
      %dma_start3A_104 = arith.constant 0 : i32
      %dma_start3A_105 = tpu.memref_slice %arg4[%dma_start3A_103, %dma_start3A_104] : memref<327680x64xf32, #tpu.memory_space<hbm>> -> memref<327680x64xf32, #tpu.memory_space<hbm>>
      tpu.enqueue_indirect_dma source(%arg9 : memref<128x64xf32, #tpu.memory_space<vmem>>) target(%dma_start3A_105 : memref<327680x64xf32, #tpu.memory_space<hbm>>) offsets(%dma_start3A_102 : memref<128xi32, #tpu.memory_space<vmem>>) semaphore(%arg17 : memref<!tpu.dma_semaphore, #tpu.memory_space<semaphore_mem>>)
      %dma_wait3A_106 = tpu.memref_slice %arg6[%mul3A_38] : memref<10240xi32, #tpu.memory_space<vmem>> -> memref<128xi32, #tpu.memory_space<vmem>>
      %dma_wait3A_107 = arith.constant 0 : i32
      %dma_wait3A_108 = arith.constant 0 : i32
      %dma_wait3A_109 = tpu.memref_slice %arg3[%dma_wait3A_107, %dma_wait3A_108] : memref<1000000x64xf32, #tpu.memory_space<hbm>> -> memref<1000000x64xf32, #tpu.memory_space<hbm>>
      tpu.wait_indirect_dma semaphore(%arg18 : memref<!tpu.dma_semaphore, #tpu.memory_space<semaphore_mem>>) src(%dma_wait3A_109 : memref<1000000x64xf32, #tpu.memory_space<hbm>>) dst(%arg10 : memref<128x64xf32, #tpu.memory_space<vmem>>)
      %add3A_110 = arith.constant 2 : i32
      %add3A_111 = arith.addi %mul3A_19, %add3A_110 : i32
      %dma_start3A_112 = arith.constant 0 : i32
      %dma_start3A_113 = tpu.memref_slice %arg7[%add3A_111, %dma_start3A_112] : memref<80x128xi32, #tpu.memory_space<vmem>> -> memref<1x128xi32, #tpu.memory_space<vmem>>
      %dma_start3A_114 = tpu.memref_squeeze %dma_start3A_113 : memref<1x128xi32, #tpu.memory_space<vmem>> -> memref<128xi32, #tpu.memory_space<vmem>>
      %dma_start3A_115 = arith.constant 0 : i32
      %dma_start3A_116 = arith.constant 0 : i32
      %dma_start3A_117 = tpu.memref_slice %arg4[%dma_start3A_115, %dma_start3A_116] : memref<327680x64xf32, #tpu.memory_space<hbm>> -> memref<327680x64xf32, #tpu.memory_space<hbm>>
      tpu.enqueue_indirect_dma source(%arg10 : memref<128x64xf32, #tpu.memory_space<vmem>>) target(%dma_start3A_117 : memref<327680x64xf32, #tpu.memory_space<hbm>>) offsets(%dma_start3A_114 : memref<128xi32, #tpu.memory_space<vmem>>) semaphore(%arg18 : memref<!tpu.dma_semaphore, #tpu.memory_space<semaphore_mem>>)
      %dma_wait3A_118 = tpu.memref_slice %arg6[%mul3A_46] : memref<10240xi32, #tpu.memory_space<vmem>> -> memref<128xi32, #tpu.memory_space<vmem>>
      %dma_wait3A_119 = arith.constant 0 : i32
      %dma_wait3A_120 = arith.constant 0 : i32
      %dma_wait3A_121 = tpu.memref_slice %arg3[%dma_wait3A_119, %dma_wait3A_120] : memref<1000000x64xf32, #tpu.memory_space<hbm>> -> memref<1000000x64xf32, #tpu.memory_space<hbm>>
      tpu.wait_indirect_dma semaphore(%arg19 : memref<!tpu.dma_semaphore, #tpu.memory_space<semaphore_mem>>) src(%dma_wait3A_121 : memref<1000000x64xf32, #tpu.memory_space<hbm>>) dst(%arg11 : memref<128x64xf32, #tpu.memory_space<vmem>>)
      %add3A_122 = arith.constant 3 : i32
      %add3A_123 = arith.addi %mul3A_19, %add3A_122 : i32
      %dma_start3A_124 = arith.constant 0 : i32
      %dma_start3A_125 = tpu.memref_slice %arg7[%add3A_123, %dma_start3A_124] : memref<80x128xi32, #tpu.memory_space<vmem>> -> memref<1x128xi32, #tpu.memory_space<vmem>>
      %dma_start3A_126 = tpu.memref_squeeze %dma_start3A_125 : memref<1x128xi32, #tpu.memory_space<vmem>> -> memref<128xi32, #tpu.memory_space<vmem>>
      %dma_start3A_127 = arith.constant 0 : i32
      %dma_start3A_128 = arith.constant 0 : i32
      %dma_start3A_129 = tpu.memref_slice %arg4[%dma_start3A_127, %dma_start3A_128] : memref<327680x64xf32, #tpu.memory_space<hbm>> -> memref<327680x64xf32, #tpu.memory_space<hbm>>
      tpu.enqueue_indirect_dma source(%arg11 : memref<128x64xf32, #tpu.memory_space<vmem>>) target(%dma_start3A_129 : memref<327680x64xf32, #tpu.memory_space<hbm>>) offsets(%dma_start3A_126 : memref<128xi32, #tpu.memory_space<vmem>>) semaphore(%arg19 : memref<!tpu.dma_semaphore, #tpu.memory_space<semaphore_mem>>)
      %dma_wait3A_130 = tpu.memref_slice %arg6[%mul3A_54] : memref<10240xi32, #tpu.memory_space<vmem>> -> memref<128xi32, #tpu.memory_space<vmem>>
      %dma_wait3A_131 = arith.constant 0 : i32
      %dma_wait3A_132 = arith.constant 0 : i32
      %dma_wait3A_133 = tpu.memref_slice %arg3[%dma_wait3A_131, %dma_wait3A_132] : memref<1000000x64xf32, #tpu.memory_space<hbm>> -> memref<1000000x64xf32, #tpu.memory_space<hbm>>
      tpu.wait_indirect_dma semaphore(%arg20 : memref<!tpu.dma_semaphore, #tpu.memory_space<semaphore_mem>>) src(%dma_wait3A_133 : memref<1000000x64xf32, #tpu.memory_space<hbm>>) dst(%arg12 : memref<128x64xf32, #tpu.memory_space<vmem>>)
      %add3A_134 = arith.constant 4 : i32
      %add3A_135 = arith.addi %mul3A_19, %add3A_134 : i32
      %dma_start3A_136 = arith.constant 0 : i32
      %dma_start3A_137 = tpu.memref_slice %arg7[%add3A_135, %dma_start3A_136] : memref<80x128xi32, #tpu.memory_space<vmem>> -> memref<1x128xi32, #tpu.memory_space<vmem>>
      %dma_start3A_138 = tpu.memref_squeeze %dma_start3A_137 : memref<1x128xi32, #tpu.memory_space<vmem>> -> memref<128xi32, #tpu.memory_space<vmem>>
      %dma_start3A_139 = arith.constant 0 : i32
      %dma_start3A_140 = arith.constant 0 : i32
      %dma_start3A_141 = tpu.memref_slice %arg4[%dma_start3A_139, %dma_start3A_140] : memref<327680x64xf32, #tpu.memory_space<hbm>> -> memref<327680x64xf32, #tpu.memory_space<hbm>>
      tpu.enqueue_indirect_dma source(%arg12 : memref<128x64xf32, #tpu.memory_space<vmem>>) target(%dma_start3A_141 : memref<327680x64xf32, #tpu.memory_space<hbm>>) offsets(%dma_start3A_138 : memref<128xi32, #tpu.memory_space<vmem>>) semaphore(%arg20 : memref<!tpu.dma_semaphore, #tpu.memory_space<semaphore_mem>>)
      %dma_wait3A_142 = tpu.memref_slice %arg6[%mul3A_62] : memref<10240xi32, #tpu.memory_space<vmem>> -> memref<128xi32, #tpu.memory_space<vmem>>
      %dma_wait3A_143 = arith.constant 0 : i32
      %dma_wait3A_144 = arith.constant 0 : i32
      %dma_wait3A_145 = tpu.memref_slice %arg3[%dma_wait3A_143, %dma_wait3A_144] : memref<1000000x64xf32, #tpu.memory_space<hbm>> -> memref<1000000x64xf32, #tpu.memory_space<hbm>>
      tpu.wait_indirect_dma semaphore(%arg21 : memref<!tpu.dma_semaphore, #tpu.memory_space<semaphore_mem>>) src(%dma_wait3A_145 : memref<1000000x64xf32, #tpu.memory_space<hbm>>) dst(%arg13 : memref<128x64xf32, #tpu.memory_space<vmem>>)
      %add3A_146 = arith.constant 5 : i32
      %add3A_147 = arith.addi %mul3A_19, %add3A_146 : i32
      %dma_start3A_148 = arith.constant 0 : i32
      %dma_start3A_149 = tpu.memref_slice %arg7[%add3A_147, %dma_start3A_148] : memref<80x128xi32, #tpu.memory_space<vmem>> -> memref<1x128xi32, #tpu.memory_space<vmem>>
      %dma_start3A_150 = tpu.memref_squeeze %dma_start3A_149 : memref<1x128xi32, #tpu.memory_space<vmem>> -> memref<128xi32, #tpu.memory_space<vmem>>
      %dma_start3A_151 = arith.constant 0 : i32
      %dma_start3A_152 = arith.constant 0 : i32
      %dma_start3A_153 = tpu.memref_slice %arg4[%dma_start3A_151, %dma_start3A_152] : memref<327680x64xf32, #tpu.memory_space<hbm>> -> memref<327680x64xf32, #tpu.memory_space<hbm>>
      tpu.enqueue_indirect_dma source(%arg13 : memref<128x64xf32, #tpu.memory_space<vmem>>) target(%dma_start3A_153 : memref<327680x64xf32, #tpu.memory_space<hbm>>) offsets(%dma_start3A_150 : memref<128xi32, #tpu.memory_space<vmem>>) semaphore(%arg21 : memref<!tpu.dma_semaphore, #tpu.memory_space<semaphore_mem>>)
      %dma_wait3A_154 = tpu.memref_slice %arg6[%mul3A_70] : memref<10240xi32, #tpu.memory_space<vmem>> -> memref<128xi32, #tpu.memory_space<vmem>>
      %dma_wait3A_155 = arith.constant 0 : i32
      %dma_wait3A_156 = arith.constant 0 : i32
      %dma_wait3A_157 = tpu.memref_slice %arg3[%dma_wait3A_155, %dma_wait3A_156] : memref<1000000x64xf32, #tpu.memory_space<hbm>> -> memref<1000000x64xf32, #tpu.memory_space<hbm>>
      tpu.wait_indirect_dma semaphore(%arg22 : memref<!tpu.dma_semaphore, #tpu.memory_space<semaphore_mem>>) src(%dma_wait3A_157 : memref<1000000x64xf32, #tpu.memory_space<hbm>>) dst(%arg14 : memref<128x64xf32, #tpu.memory_space<vmem>>)
      %add3A_158 = arith.constant 6 : i32
      %add3A_159 = arith.addi %mul3A_19, %add3A_158 : i32
      %dma_start3A_160 = arith.constant 0 : i32
      %dma_start3A_161 = tpu.memref_slice %arg7[%add3A_159, %dma_start3A_160] : memref<80x128xi32, #tpu.memory_space<vmem>> -> memref<1x128xi32, #tpu.memory_space<vmem>>
      %dma_start3A_162 = tpu.memref_squeeze %dma_start3A_161 : memref<1x128xi32, #tpu.memory_space<vmem>> -> memref<128xi32, #tpu.memory_space<vmem>>
      %dma_start3A_163 = arith.constant 0 : i32
      %dma_start3A_164 = arith.constant 0 : i32
      %dma_start3A_165 = tpu.memref_slice %arg4[%dma_start3A_163, %dma_start3A_164] : memref<327680x64xf32, #tpu.memory_space<hbm>> -> memref<327680x64xf32, #tpu.memory_space<hbm>>
      tpu.enqueue_indirect_dma source(%arg14 : memref<128x64xf32, #tpu.memory_space<vmem>>) target(%dma_start3A_165 : memref<327680x64xf32, #tpu.memory_space<hbm>>) offsets(%dma_start3A_162 : memref<128xi32, #tpu.memory_space<vmem>>) semaphore(%arg22 : memref<!tpu.dma_semaphore, #tpu.memory_space<semaphore_mem>>)
      %dma_wait3A_166 = tpu.memref_slice %arg6[%mul3A_78] : memref<10240xi32, #tpu.memory_space<vmem>> -> memref<128xi32, #tpu.memory_space<vmem>>
      %dma_wait3A_167 = arith.constant 0 : i32
      %dma_wait3A_168 = arith.constant 0 : i32
      %dma_wait3A_169 = tpu.memref_slice %arg3[%dma_wait3A_167, %dma_wait3A_168] : memref<1000000x64xf32, #tpu.memory_space<hbm>> -> memref<1000000x64xf32, #tpu.memory_space<hbm>>
      tpu.wait_indirect_dma semaphore(%arg23 : memref<!tpu.dma_semaphore, #tpu.memory_space<semaphore_mem>>) src(%dma_wait3A_169 : memref<1000000x64xf32, #tpu.memory_space<hbm>>) dst(%arg15 : memref<128x64xf32, #tpu.memory_space<vmem>>)
      %add3A_170 = arith.constant 7 : i32
      %add3A_171 = arith.addi %mul3A_19, %add3A_170 : i32
      %dma_start3A_172 = arith.constant 0 : i32
      %dma_start3A_173 = tpu.memref_slice %arg7[%add3A_171, %dma_start3A_172] : memref<80x128xi32, #tpu.memory_space<vmem>> -> memref<1x128xi32, #tpu.memory_space<vmem>>
      %dma_start3A_174 = tpu.memref_squeeze %dma_start3A_173 : memref<1x128xi32, #tpu.memory_space<vmem>> -> memref<128xi32, #tpu.memory_space<vmem>>
      %dma_start3A_175 = arith.constant 0 : i32
      %dma_start3A_176 = arith.constant 0 : i32
      %dma_start3A_177 = tpu.memref_slice %arg4[%dma_start3A_175, %dma_start3A_176] : memref<327680x64xf32, #tpu.memory_space<hbm>> -> memref<327680x64xf32, #tpu.memory_space<hbm>>
      tpu.enqueue_indirect_dma source(%arg15 : memref<128x64xf32, #tpu.memory_space<vmem>>) target(%dma_start3A_177 : memref<327680x64xf32, #tpu.memory_space<hbm>>) offsets(%dma_start3A_174 : memref<128xi32, #tpu.memory_space<vmem>>) semaphore(%arg23 : memref<!tpu.dma_semaphore, #tpu.memory_space<semaphore_mem>>)
      %dma_wait3A_178 = arith.constant 0 : i32
      %dma_wait3A_179 = tpu.memref_slice %arg7[%add3A_87, %dma_wait3A_178] : memref<80x128xi32, #tpu.memory_space<vmem>> -> memref<1x128xi32, #tpu.memory_space<vmem>>
      %dma_wait3A_180 = tpu.memref_squeeze %dma_wait3A_179 : memref<1x128xi32, #tpu.memory_space<vmem>> -> memref<128xi32, #tpu.memory_space<vmem>>
      %dma_wait3A_181 = arith.constant 0 : i32
      %dma_wait3A_182 = arith.constant 0 : i32
      %dma_wait3A_183 = tpu.memref_slice %arg4[%dma_wait3A_181, %dma_wait3A_182] : memref<327680x64xf32, #tpu.memory_space<hbm>> -> memref<327680x64xf32, #tpu.memory_space<hbm>>
      tpu.wait_indirect_dma semaphore(%arg16 : memref<!tpu.dma_semaphore, #tpu.memory_space<semaphore_mem>>) src(%arg8 : memref<128x64xf32, #tpu.memory_space<vmem>>) dst(%dma_wait3A_183 : memref<327680x64xf32, #tpu.memory_space<hbm>>)
      %dma_wait3A_184 = arith.constant 0 : i32
      %dma_wait3A_185 = tpu.memref_slice %arg7[%add3A_99, %dma_wait3A_184] : memref<80x128xi32, #tpu.memory_space<vmem>> -> memref<1x128xi32, #tpu.memory_space<vmem>>
      %dma_wait3A_186 = tpu.memref_squeeze %dma_wait3A_185 : memref<1x128xi32, #tpu.memory_space<vmem>> -> memref<128xi32, #tpu.memory_space<vmem>>
      %dma_wait3A_187 = arith.constant 0 : i32
      %dma_wait3A_188 = arith.constant 0 : i32
      %dma_wait3A_189 = tpu.memref_slice %arg4[%dma_wait3A_187, %dma_wait3A_188] : memref<327680x64xf32, #tpu.memory_space<hbm>> -> memref<327680x64xf32, #tpu.memory_space<hbm>>
      tpu.wait_indirect_dma semaphore(%arg17 : memref<!tpu.dma_semaphore, #tpu.memory_space<semaphore_mem>>) src(%arg9 : memref<128x64xf32, #tpu.memory_space<vmem>>) dst(%dma_wait3A_189 : memref<327680x64xf32, #tpu.memory_space<hbm>>)
      %dma_wait3A_190 = arith.constant 0 : i32
      %dma_wait3A_191 = tpu.memref_slice %arg7[%add3A_111, %dma_wait3A_190] : memref<80x128xi32, #tpu.memory_space<vmem>> -> memref<1x128xi32, #tpu.memory_space<vmem>>
      %dma_wait3A_192 = tpu.memref_squeeze %dma_wait3A_191 : memref<1x128xi32, #tpu.memory_space<vmem>> -> memref<128xi32, #tpu.memory_space<vmem>>
      %dma_wait3A_193 = arith.constant 0 : i32
      %dma_wait3A_194 = arith.constant 0 : i32
      %dma_wait3A_195 = tpu.memref_slice %arg4[%dma_wait3A_193, %dma_wait3A_194] : memref<327680x64xf32, #tpu.memory_space<hbm>> -> memref<327680x64xf32, #tpu.memory_space<hbm>>
      tpu.wait_indirect_dma semaphore(%arg18 : memref<!tpu.dma_semaphore, #tpu.memory_space<semaphore_mem>>) src(%arg10 : memref<128x64xf32, #tpu.memory_space<vmem>>) dst(%dma_wait3A_195 : memref<327680x64xf32, #tpu.memory_space<hbm>>)
      %dma_wait3A_196 = arith.constant 0 : i32
      %dma_wait3A_197 = tpu.memref_slice %arg7[%add3A_123, %dma_wait3A_196] : memref<80x128xi32, #tpu.memory_space<vmem>> -> memref<1x128xi32, #tpu.memory_space<vmem>>
      %dma_wait3A_198 = tpu.memref_squeeze %dma_wait3A_197 : memref<1x128xi32, #tpu.memory_space<vmem>> -> memref<128xi32, #tpu.memory_space<vmem>>
      %dma_wait3A_199 = arith.constant 0 : i32
      %dma_wait3A_200 = arith.constant 0 : i32
      %dma_wait3A_201 = tpu.memref_slice %arg4[%dma_wait3A_199, %dma_wait3A_200] : memref<327680x64xf32, #tpu.memory_space<hbm>> -> memref<327680x64xf32, #tpu.memory_space<hbm>>
      tpu.wait_indirect_dma semaphore(%arg19 : memref<!tpu.dma_semaphore, #tpu.memory_space<semaphore_mem>>) src(%arg11 : memref<128x64xf32, #tpu.memory_space<vmem>>) dst(%dma_wait3A_201 : memref<327680x64xf32, #tpu.memory_space<hbm>>)
      %dma_wait3A_202 = arith.constant 0 : i32
      %dma_wait3A_203 = tpu.memref_slice %arg7[%add3A_135, %dma_wait3A_202] : memref<80x128xi32, #tpu.memory_space<vmem>> -> memref<1x128xi32, #tpu.memory_space<vmem>>
      %dma_wait3A_204 = tpu.memref_squeeze %dma_wait3A_203 : memref<1x128xi32, #tpu.memory_space<vmem>> -> memref<128xi32, #tpu.memory_space<vmem>>
      %dma_wait3A_205 = arith.constant 0 : i32
      %dma_wait3A_206 = arith.constant 0 : i32
      %dma_wait3A_207 = tpu.memref_slice %arg4[%dma_wait3A_205, %dma_wait3A_206] : memref<327680x64xf32, #tpu.memory_space<hbm>> -> memref<327680x64xf32, #tpu.memory_space<hbm>>
      tpu.wait_indirect_dma semaphore(%arg20 : memref<!tpu.dma_semaphore, #tpu.memory_space<semaphore_mem>>) src(%arg12 : memref<128x64xf32, #tpu.memory_space<vmem>>) dst(%dma_wait3A_207 : memref<327680x64xf32, #tpu.memory_space<hbm>>)
      %dma_wait3A_208 = arith.constant 0 : i32
      %dma_wait3A_209 = tpu.memref_slice %arg7[%add3A_147, %dma_wait3A_208] : memref<80x128xi32, #tpu.memory_space<vmem>> -> memref<1x128xi32, #tpu.memory_space<vmem>>
      %dma_wait3A_210 = tpu.memref_squeeze %dma_wait3A_209 : memref<1x128xi32, #tpu.memory_space<vmem>> -> memref<128xi32, #tpu.memory_space<vmem>>
      %dma_wait3A_211 = arith.constant 0 : i32
      %dma_wait3A_212 = arith.constant 0 : i32
      %dma_wait3A_213 = tpu.memref_slice %arg4[%dma_wait3A_211, %dma_wait3A_212] : memref<327680x64xf32, #tpu.memory_space<hbm>> -> memref<327680x64xf32, #tpu.memory_space<hbm>>
      tpu.wait_indirect_dma semaphore(%arg21 : memref<!tpu.dma_semaphore, #tpu.memory_space<semaphore_mem>>) src(%arg13 : memref<128x64xf32, #tpu.memory_space<vmem>>) dst(%dma_wait3A_213 : memref<327680x64xf32, #tpu.memory_space<hbm>>)
      %dma_wait3A_214 = arith.constant 0 : i32
      %dma_wait3A_215 = tpu.memref_slice %arg7[%add3A_159, %dma_wait3A_214] : memref<80x128xi32, #tpu.memory_space<vmem>> -> memref<1x128xi32, #tpu.memory_space<vmem>>
      %dma_wait3A_216 = tpu.memref_squeeze %dma_wait3A_215 : memref<1x128xi32, #tpu.memory_space<vmem>> -> memref<128xi32, #tpu.memory_space<vmem>>
      %dma_wait3A_217 = arith.constant 0 : i32
      %dma_wait3A_218 = arith.constant 0 : i32
      %dma_wait3A_219 = tpu.memref_slice %arg4[%dma_wait3A_217, %dma_wait3A_218] : memref<327680x64xf32, #tpu.memory_space<hbm>> -> memref<327680x64xf32, #tpu.memory_space<hbm>>
      tpu.wait_indirect_dma semaphore(%arg22 : memref<!tpu.dma_semaphore, #tpu.memory_space<semaphore_mem>>) src(%arg14 : memref<128x64xf32, #tpu.memory_space<vmem>>) dst(%dma_wait3A_219 : memref<327680x64xf32, #tpu.memory_space<hbm>>)
      %dma_wait3A_220 = arith.constant 0 : i32
      %dma_wait3A_221 = tpu.memref_slice %arg7[%add3A_171, %dma_wait3A_220] : memref<80x128xi32, #tpu.memory_space<vmem>> -> memref<1x128xi32, #tpu.memory_space<vmem>>
      %dma_wait3A_222 = tpu.memref_squeeze %dma_wait3A_221 : memref<1x128xi32, #tpu.memory_space<vmem>> -> memref<128xi32, #tpu.memory_space<vmem>>
      %dma_wait3A_223 = arith.constant 0 : i32
      %dma_wait3A_224 = arith.constant 0 : i32
      %dma_wait3A_225 = tpu.memref_slice %arg4[%dma_wait3A_223, %dma_wait3A_224] : memref<327680x64xf32, #tpu.memory_space<hbm>> -> memref<327680x64xf32, #tpu.memory_space<hbm>>
      tpu.wait_indirect_dma semaphore(%arg23 : memref<!tpu.dma_semaphore, #tpu.memory_space<semaphore_mem>>) src(%arg15 : memref<128x64xf32, #tpu.memory_space<vmem>>) dst(%dma_wait3A_225 : memref<327680x64xf32, #tpu.memory_space<hbm>>)
    }
    %scan3A_16 = arith.constant 10 : i32
    return
  }
}

</mosaic_0001>

<sc_bundles>
// kernel: kernel.3.cloned.1.call-start
scs
__scs_entry_jumppad:
0x0: {  	(pc) =	sbr.rel $0x88, $3  }
0x1: {  	(tag) =	ssettag $0x0;
	lr =	simm.s32 $0x1  }
0x2: {  	[smem:$0x3F9F] =	sst lr;
	_ =	strace $0xD0000000  }
0x3: {  	_ = 	snop  }
0x4: {  	_ = 	snop  }
0x5: {  	_ = 	snop  }
0x6: {  	_ = 	snop  }
0x7: {  	_ = 	snop  }
__scs_overlays_trampoline_lowered:
0x8: {  	[smem:$0x3FAE] =	sst s0  }
0x9: {  	[smem:$0x3FAF] =	sst s1  }
0xa: {  	[smem:$0x3FB0] =	sst s2  }
0xb: {  	[smem:$0x3FB1] =	sst s3  }
0xc: {  	[smem:$0x3FB2] =	sst s4  }
0xd: {  	[smem:$0x3FB3] =	sst s5  }
0xe: {  	[smem:$0x3FB4] =	sst s6  }
0xf: {  	[smem:$0x3FB5] =	sst s7  }
0x10: {  	[smem:$0x3FB6] =	sst s8  }
0x11: {  	[smem:$0x3FB7] =	sst s9;
	s0 =	simm.s32 @!p0 $0x0  }
0x12: {  	s1 =	sld [smem:$0x3F9D];
	s0 =	simm.s32 @p0 $0x1  }
0x13: {  	[smem:$0x3FB8] =	sst s0;
	s0 =	simm.s32 @!p1 $0x0  }
0x14: {  	s2 =	sld [smem:$0x3F9C];
	s0 =	simm.s32 @p1 $0x1  }
0x15: {  	[smem:$0x3FB9] =	sst s0;
	s0 =	simm.s32 @!p2 $0x0  }
0x16: {  	s3 =	sld [smem:$0x3FDB];
	s0 =	simm.s32 @p2 $0x1  }
0x17: {  	s4 =	simm.s32 $0x1BF5;
	[smem:$0x3FBB] =	sst s0  }
0x18: {  	s0 =	sld [smem:$0x3F9E];
	_ =	swait.ge [sflag:s4], $0x0  }
0x19: {  	s7 =	sld [smem:$0x3F9F]  }
0x1a: {  	s8 =	sadd.s32 $0xFFFFE003, lr  }
0x1b: {  	s9 =	sadd.s32 $0xFFFFFEF7, lr;
	s5 =	simm.s32 $0xFFFFFFFF;
	p2 =	slt.u32 s8, $0xFFFFF086  }
0x1c: {  	p1 =	slt.u32 s9, $0xF7A;
	s5 =	simm.s32 @!p2 $0x0  }
0x1d: {  	s5 =	simm.s32 @p1 $0x1;
	p0 =	seq.s32 s7, s2  }
0x1e: {  	s7 =	smul.u32 @!p0 $0xF7A, s2;
	p2 =	seq.s32 @!p0 s5, $0x0  }
0x1f: {  	s9 =	smul.u32 $0xF7A, s1;
	s8 =	simm.s32 @!p0 $0x1BF5;
	p2 =	por !p2, p0  }
0x20: {  	[sflag:s8] =	ssyncset.s32 @!p0 $0xFFFFF086;
	s6 =	sadd.s32 @!p0 s3, s7;
	s7 =	simm.s32 @!p0 $0x108  }
0x21: {  	s3 =	sadd.s32 s3, s9;
	s6 =	sadd.s32 @!p0 $0x88, s6;
	s7 =	simm.s32 @p2 $0x1082  }
0x22: {  	[simem:s7], [sflag:s8] =	dma.local @!p0 [hbm:s6], $0xF7A  }
0x23: {  	s9 =	sor.u32 $0xD0000000, s2;
	s6 =	simm.s32 $0x108;
	_ =	swait.ge @!p0 [sflag:s8], $0x0  }
0x24: {  	s3 =	sadd.s32 $0x88, s3;
	s6 =	simm.s32 @!p1 $0x1082;
	[sflag:s4] =	ssyncset.s32 $0xFFFFF086  }
0x25: {  	[simem:s6], [sflag:s4] =	dma.local [hbm:s3], $0xF7A  }
0x26: {  	[smem:$0x3F9F] =	sst s1;
	(tag) =	ssettag s2;
	_ =	strace s9  }
0x27: {  	s1 =	sld [smem:$0x3FAF]  }
0x28: {  	s2 =	sld [smem:$0x3FB0]  }
0x29: {  	s4 =	sld [smem:$0x3FB2]  }
0x2a: {  	p0 =	seq.s32 s5, $0x0;
	s5 =	sld [smem:$0x3FB3]  }
0x2b: {  	s6 =	sld [smem:$0x3FB4]  }
0x2c: {  	s7 =	sld [smem:$0x3FB5]  }
0x2d: {  	s3 =	simm.s32 $0x108;
	s8 =	sld [smem:$0x3FB6]  }
0x2e: {  	s3 =	simm.s32 @!p0 $0x1082;
	s9 =	sld [smem:$0x3FB7]  }
0x2f: {  	lr =	sadd.s32 s0, s3;
	s0 =	sld [smem:$0x3FAE]  }
0x30: {  	s3 =	sld [smem:$0x3FB1]  }
0x31: {  	[smem:$0x3FBA] =	sst s10  }
0x32: {  	s10 =	sld [smem:$0x3FB8];
	_ =	sdelay $0x3  }
0x33: {  	p0 =	seq.s32 s10, $0x1;
	s10 =	sld [smem:$0x3FBA];
	_ =	sdelay $0x3  }
0x34: {  	[smem:$0x3FBA] =	sst s10  }
0x35: {  	s10 =	sld [smem:$0x3FB9];
	_ =	sdelay $0x3  }
0x36: {  	p1 =	seq.s32 s10, $0x1;
	s10 =	sld [smem:$0x3FBA];
	_ =	sdelay $0x3  }
0x37: {  	[smem:$0x3FBA] =	sst s10  }
0x38: {  	s10 =	sld [smem:$0x3FBB]  }
0x39: {  	_ = 	snop;
	(pc) =	sbr.ind lr, $3  }
0x3a: {  	_ = 	snop  }
0x3b: {  	_ = 	snop  }
0x3c: {  	p2 =	seq.s32 s10, $0x1;
	s10 =	sld [smem:$0x3FBA]  }
0x3d: {  	_ =	shalt  }
0x3e: {  	_ =	shalt  }
0x3f: {  	_ =	shalt  }
0x40: {  	_ =	shalt  }
0x41: {  	_ =	shalt  }
0x42: {  	_ =	shalt  }
0x43: {  	_ =	shalt  }
0x44: {  	_ =	shalt  }
0x45: {  	_ =	shalt  }
0x46: {  	_ =	shalt  }
0x47: {  	_ =	shalt  }
0x48: {  	_ =	shalt  }
0x49: {  	_ =	shalt  }
0x4a: {  	_ =	shalt  }
0x4b: {  	_ =	shalt  }
0x4c: {  	_ =	shalt  }
0x4d: {  	_ =	shalt  }
0x4e: {  	_ =	shalt  }
0x4f: {  	_ =	shalt  }
0x50: {  	_ =	shalt  }
0x51: {  	_ =	shalt  }
0x52: {  	_ =	shalt  }
0x53: {  	_ =	shalt  }
0x54: {  	_ =	shalt  }
0x55: {  	_ =	shalt  }
0x56: {  	_ =	shalt  }
0x57: {  	_ =	shalt  }
0x58: {  	_ =	shalt  }
0x59: {  	_ =	shalt  }
0x5a: {  	_ =	shalt  }
0x5b: {  	_ =	shalt  }
0x5c: {  	_ =	shalt  }
0x5d: {  	_ =	shalt  }
0x5e: {  	_ =	shalt  }
0x5f: {  	_ =	shalt  }
0x60: {  	_ =	shalt  }
0x61: {  	_ =	shalt  }
0x62: {  	_ =	shalt  }
0x63: {  	_ =	shalt  }
0x64: {  	_ =	shalt  }
0x65: {  	_ =	shalt  }
0x66: {  	_ =	shalt  }
0x67: {  	_ =	shalt  }
0x68: {  	_ =	shalt  }
0x69: {  	_ =	shalt  }
0x6a: {  	_ =	shalt  }
0x6b: {  	_ =	shalt  }
0x6c: {  	_ =	shalt  }
0x6d: {  	_ =	shalt  }
0x6e: {  	_ =	shalt  }
0x6f: {  	_ =	shalt  }
0x70: {  	_ =	shalt  }
0x71: {  	_ =	shalt  }
0x72: {  	_ =	shalt  }
0x73: {  	_ =	shalt  }
0x74: {  	_ =	shalt  }
0x75: {  	_ =	shalt  }
0x76: {  	_ =	shalt  }
0x77: {  	_ =	shalt  }
0x78: {  	_ =	shalt  }
0x79: {  	_ =	shalt  }
0x7a: {  	_ =	shalt  }
0x7b: {  	_ =	shalt  }
0x7c: {  	_ =	shalt  }
0x7d: {  	_ =	shalt  }
0x7e: {  	_ =	shalt  }
0x7f: {  	_ =	shalt  }
0x80: {  	_ =	shalt  }
0x81: {  	_ =	shalt  }
0x82: {  	_ =	shalt  }
0x83: {  	_ =	shalt  }
0x84: {  	_ =	shalt  }
0x85: {  	_ =	shalt  }
0x86: {  	_ =	shalt  }
0x87: {  	_ =	shalt  }
.Lfunc_end0:
.L_simem_size_0:
called_computation.1_lowered:
.L_overlay_start_0:
0x88: {  	s2 =	sld [smem:$0x3FD9]  }
0x89: {  	s3 =	sld [smem:$0x3FFE];
	_ =	sdelay $0x1  }
0x8a: {  	s1 =	srdreg.scid  }
0x8b: {  	s0 =	sand.u32 $0x1, s1  }
0x8c: {  	s17 =	sshll.u32 s0, $0xA;
	s2 =	sadd.s32 s3, s2  }
0x8d: {  	s2 =	sadd.s32 s2, s17  }
0x8e: {  	[smem:$0x3FC6] =	sst s2  }
0x8f: {  	_ = 	snop  }
0x90: {  	s2 =	sld [smem:$0x3FD0];
	(tm) =	ssettm $0x1  }
0x91: {  	s18 =	sld [smem:$0x3FFB];
	_ =	sdelay $0x3  }
0x92: {  	_ =	strace s18  }
0x93: {  	s3 =	sld [smem:$0x3FFC];
	_ =	sdelay $0x3  }
0x94: {  	_ =	strace s3  }
0x95: {  	s3 =	sld [smem:$0x3FFD];
	_ =	sdelay $0x3  }
0x96: {  	_ =	strace s3  }
0x97: {  	_ =	strace $0x8FFFFFFF  }
0x98: {  	s19 =	sld [smem:$0x3FDB];
	_ =	sdelay $0x1  }
0x99: {  	s4 =	simm.s32 $_scs_section_size  }
0x9a: {  	s5 =	simm.s32 $_size__tile_overlayer_lowered;
	s6 =	simm.s32 $_tile_overlayer_lowered  }
0x9b: {  	s22 =	simm.s32 $0x1BFF;
	s21 =	sshll.u32 s6, $0x1;
	s3 =	sadd.s32 s4, s19  }
0x9c: {  	s7 =	simm.s32 $0x0;
	s20 =	sshll.u32 s5, $0x1;
	s5 =	sadd.s32 s21, s3  }
0x9d: {  	[timem:s7], [sflag:s22] =	dma.local [hbm:s5], s20  }
0x9e: {  	_ =	swait.ge [sflag:s22], s20  }
0x9f: {  	s4 =	ssub.s32 $0x0, s20;
	[sflag:s22] =	ssyncset.done $0x0  }
0xa0: {  	[sflag:s22] =	ssyncadd.s32 s4;
	_ =	sdelay $0x1  }
0xa1: {  	s23 =	simm.s32 $0x1B8B  }
0xa2: {  	_ =	swait.ge [sflag:s23], $0x1  }
0xa3: {  	[sflag:s23] =	ssyncset.done $0x0  }
0xa4: {  	s25 =	simm.s32 $0x1B8E;
	s24 =	sld [smem:$0x3FFE];
	[sflag:s23] =	ssyncadd.s32 $0xFFFFFFFF  }
0xa5: {  	s26 =	simm.s32 $execute0_lowered;
	[smem:$0x3FD2] =	sst s25  }
0xa6: {  	s5 =	sshll.u32 s26, $0x1;
	_ =	strace $0x80000049;
	[dreg:$0x1] =	wrdreg $0xFFFFFFFF  }
0xa7: {  	s28 =	simm.s32 $_size_execute0_lowered;
	s3 =	sadd.s32 s3, s5;
	[dreg:$0x0] =	wrdreg $0x0  }
0xa8: {  	s5 =	sshll.u32 s28, $0x1;
	[dreg:$0x2] =	wrdreg s3  }
0xa9: {  	[dreg:$0x3] =	wrdreg s5  }
0xaa: {  	[dreg:$0x4] =	wrdreg $0xC0  }
0xab: {  	_ =	task [dreg:s7], $0x5FFFF  }
0xac: {  	[dreg:$0x1] =	wrdreg $0xFFFFFFFF  }
0xad: {  	[dreg:$0x0] =	wrdreg $0x60  }
0xae: {  	[dreg:$0x2] =	wrdreg s24  }
0xaf: {  	[dreg:$0x3] =	wrdreg s2  }
0xb0: {  	[dreg:$0x4] =	wrdreg $0x9  }
0xb1: {  	_ =	task.clear_ibuf [dreg:s7], $0x5FFFF;
	_ =	strace $0x90000049  }
0xb2: {  	s29 =	simm.s32 $0x9;
	_ =	strace $0x8000004B  }
0xb3: {  	_ =	swait.ge [sflag:s29], $0x1  }
0xb4: {  	[sflag:s29] =	ssyncadd.s32 $0xFFFFFFFF  }
0xb5: {  	_ =	strace $0x9000004B  }
0xb6: {  	_ =	sfence  }
0xb7: {  	s30 =	sld [smem:$0x0];
	_ =	sdelay $0x2  }
0xb8: {  	s31 =	sshll.u32 s1, $0xD;
	s1 =	sshrl.u32 s1, $0x2  }
0xb9: {  	s3 =	sand.u32 $0x4000, s31;
	s1 =	sadd.s32 s1, s30  }
0xba: {  	s0 =	sor.u32 s3, s0;
	s1 =	sshll.u32 s1, $0x11  }
0xbb: {  	s0 =	sor.u32 s1, s0  }
0xbc: {  	s0 =	sadd.s32 $0x8F2B, s0  }
0xbd: {  	[sflag:s0] =	ssyncadd.remote.s32 $0x1  }
0xbe: {  	_ =	sfence.sel $0xFFFF  }
0xbf: {  	[dreg:$0x0] =	wrdreg $0xFFFFFFFF;
	(pc) =	sbr.abs _section_cstart, $3  }
0xc0: {  	[dreg:$0x1] =	wrdreg $0xFFFFFFFF  }
0xc1: {  	_ =	task.clear_ibuf [dreg:s7], $0x2FFFF;
	_ =	strace $0x9FFFFFFF  }
0xc2: {  	(tm) =	ssettm $0x7FFFFFFF  }
0xc3: {  	_ =	shalt  }
tec
execute0_lowered:
.L_overlay_start_1:
0x0: {  	(tag) =	ssettag $0x1  }
0x1: {  	s4 =	rddreg [dreg:$0x0]  }
0x2: {  	s2 =	rddreg [dreg:$0x1];
	s5 =	srdreg.scid  }
0x3: {  	s1 =	stileid.u32;
	s3 =	simm.s32 $0x0;
	s9 =	simm.s32 $0x9  }
0x4: {  	s10 =	simm.s32 $0x9000;
	s11 =	simm.s32 $0xB000;
	s12 =	simm.s32 $0xD000  }
0x5: {  	s13 =	simm.s32 $0xF000;
	s14 =	simm.s32 $0x11000;
	s15 =	simm.s32 $0x13000  }
0x6: {  	s16 =	simm.s32 $0x15000;
	s17 =	simm.s32 $0x17000;
	s18 =	simm.s32 $0x1  }
0x7: {  	s19 =	simm.s32 $0x2;
	s20 =	simm.s32 $0x3;
	s21 =	simm.s32 $0x4  }
0x8: {  	s22 =	simm.s32 $0x5;
	s23 =	simm.s32 $0x6;
	s25 =	simm.s32 $0x8  }
0x9: {  	s26 =	simm.s32 $0x0;
	s5 =	sand.u32 $0x1, s5;
	s6 =	sshll.u32 s1, $0x1  }
0xa: {  	[smem:$0x7FF] =	sst s3;
	s6 =	sor.u32 s5, s6;
	s5 =	ssub.s32 $0x2, s5  }
0xb: {  	_ =	strace $0x8000004A;
	s7 =	sshll.u32 s6, $0xD;
	s8 =	sshrl.u32 s5, $0x1  }
0xc: {  	v0 =	vlaneseq.u32;
	s24 =	smul.u32 $0x2800, s6;
	s7 =	sadd.s32 s7, s4;
	s8 =	ssub.s32 s5, s8  }
0xd: {  	v1 =	vand.u32 $0x1, v0;
	s4 =	sadd.s32 $0xF82E00, s4;
	s5 =	sadd.s32 $0xF42E00, s7;
	s6 =	smax.u32 s8, $0x1  }
0xe: {  	s7 =	simm.s32 $0x20;
	s8 =	simm.s32 $0x80;
	v1 =	vor.u32 s24, v1;
	s24 =	simm.s32 $0x7  }
.LBB2_1:
0xf: {  	[tilespmem:s3], [sflag:$0x9] =	stream.strided.gather [hbm4b:s5+s7], $0x4000, s8, s7, $0x38;
	[tilespmem:$0x19000] =	vst v63  }
0x10: {  	_ =	swait.ge [sflag:s9], $0x4000  }
0x11: {  	[sflag:s9] =	ssyncset.done $0x0  }
0x12: {  	[sflag:s9] =	ssyncadd.s32 $0xFFFFC000  }
0x13: {  	s30 =	simm.s32 $0x50;
	s29 =	simm.s32 $0x0;
	s28 =	simm.s32 $0x4;
	v8 =	vld [tilespmem:s21+$0xFFFFFFFC]  }
.LBB2_2:
0x14: {  	p0 =	sne.s32 s30, $0x9FB0;
	_ =	sdelay $0x2  }
0x15: {  	s31 =	sshra.s32 s29, $0x2;
	s29 =	smov.u32 s30  }
0x16: {  	[tilespmem:s31+$0x4000] =	vst v8  }
0x17: {  	v2 =	vld [tilespmem:s28+$0x0];
	_ =	sdelay $0x1  }
.Ltmp0:
0x18: {  	(pc) =	sbr.rel @p0 .LBB2_2-.Ltmp0, $3  }
0x19: {  	_ =	sdelay $0x1  }
0x1a: {  	s28 =	sadd.s32 $0x20, s28;
	[tilespmem:s31+$0x4004] =	vst v2  }
0x1b: {  	s30 =	sadd.s32 $0x50, s30;
	v8 =	vld [tilespmem:s28+$0xFFFFFFFC]  }
0x1c: {  	s30 =	simm.s32 $0x70  }
0x1d: {  	s31 =	simm.s32 $0x0;
	s0 =	simm.s32 $0x20;
	v2 =	vor.u32 s30, v0;
	s30 =	simm.s32 $0x10  }
0x1e: {  	v3 =	vor.u32 s31, v0;
	v6 =	vor.u32 s0, v0;
	s0 =	simm.s32 $0x50;
	v4 =	vor.u32 s30, v0  }
0x1f: {  	s30 =	simm.s32 $0x30;
	v5 =	vmul.u32 $0xCCD, v2;
	v9 =	vmul.u32 $0xCCD, v3;
	v11 =	vor.u32 s0, v0  }
0x20: {  	v13 =	vmul.u32 $0xCCD, v6;
	v7 =	vor.u32 s30, v0;
	s30 =	simm.s32 $0x40;
	v12 =	vmul.u32 $0xCCD, v4  }
0x21: {  	v16 =	vmul.u32 $0xCCD, v11;
	v10 =	vor.u32 s30, v0;
	v14 =	vmul.u32 $0xCCD, v7  }
0x22: {  	v17 =	vshrl.u32 v5, $0xF;
	v18 =	vshrl.u32 v5, $0x10;
	v5 =	vshrl.u32 v5, $0x13  }
0x23: {  	v19 =	vshrl.u32 v9, $0xF;
	v21 =	vshrl.u32 v13, $0xF;
	v25 =	vshrl.u32 v9, $0x13  }
0x24: {  	v27 =	vshrl.u32 v13, $0x13;
	v9 =	vshrl.u32 v9, $0x10;
	v13 =	vshrl.u32 v13, $0x10  }
0x25: {  	v15 =	vmul.u32 $0xCCD, v10;
	v17 =	vand.u32 $0xE, v17;
	v20 =	vshrl.u32 v12, $0xF  }
0x26: {  	v24 =	vshrl.u32 v16, $0xF;
	v26 =	vshrl.u32 v12, $0x13;
	v5 =	vmul.u32 $0xA0, v5  }
0x27: {  	v30 =	vshrl.u32 v16, $0x13;
	v18 =	vmul.u32 $0x1FFFFFEC, v18;
	v12 =	vshrl.u32 v12, $0x10  }
0x28: {  	v19 =	vand.u32 $0xE, v19;
	v16 =	vshrl.u32 v16, $0x10;
	v21 =	vand.u32 $0xE, v21  }
0x29: {  	v25 =	vmul.u32 $0xA0, v25;
	v27 =	vmul.u32 $0xA0, v27;
	v9 =	vmul.u32 $0x1FFFFFEC, v9  }
0x2a: {  	v13 =	vmul.u32 $0x1FFFFFEC, v13;
	v22 =	vshrl.u32 v14, $0xF;
	v28 =	vshrl.u32 v14, $0x13  }
0x2b: {  	v14 =	vshrl.u32 v14, $0x10;
	v20 =	vand.u32 $0xE, v20;
	v24 =	vand.u32 $0xE, v24  }
0x2c: {  	v26 =	vmul.u32 $0xA0, v26;
	v30 =	vmul.u32 $0xA0, v30;
	v12 =	vmul.u32 $0x1FFFFFEC, v12  }
0x2d: {  	v16 =	vmul.u32 $0x1FFFFFEC, v16;
	v23 =	vshrl.u32 v15, $0xF;
	v29 =	vshrl.u32 v15, $0x13  }
0x2e: {  	v15 =	vshrl.u32 v15, $0x10;
	v22 =	vand.u32 $0xE, v22;
	v28 =	vmul.u32 $0xA0, v28  }
0x2f: {  	v14 =	vmul.u32 $0x1FFFFFEC, v14;
	v5 =	vadd.s32 v5, v1;
	v25 =	vadd.s32 v25, v1  }
0x30: {  	v2 =	vadd.s32 v2, v18;
	v18 =	vadd.s32 v27, v1;
	v3 =	vadd.s32 v3, v9  }
0x31: {  	v6 =	vadd.s32 v6, v13;
	v23 =	vand.u32 $0xE, v23;
	v29 =	vmul.u32 $0xA0, v29  }
0x32: {  	v15 =	vmul.u32 $0x1FFFFFEC, v15;
	v26 =	vadd.s32 v26, v1;
	v2 =	vshll.u32 v2, $0x3  }
0x33: {  	v4 =	vadd.s32 v4, v12;
	v12 =	vor.u32 v19, v25;
	v11 =	vadd.s32 v11, v16  }
0x34: {  	v16 =	vor.u32 v21, v18;
	v3 =	vshll.u32 v3, $0x3;
	v6 =	vshll.u32 v6, $0x3  }
0x35: {  	v27 =	vadd.s32 v28, v1;
	v7 =	vadd.s32 v7, v14;
	v14 =	vor.u32 v20, v26  }
0x36: {  	s30 =	simm.s32 $0x60;
	v3 =	vand.u32 $0xFFFFFFF0, v3;
	v4 =	vshll.u32 v4, $0x3;
	v2 =	vand.u32 $0xFFFFFFF0, v2  }
0x37: {  	v28 =	vadd.s32 v29, v1;
	v29 =	vadd.s32 v30, v1;
	v30 =	vor.u32 s30, v0  }
0x38: {  	v10 =	vadd.s32 v10, v15;
	v18 =	vor.u32 v22, v27;
	v12 =	vadd.s32 v3, v12  }
0x39: {  	v3 =	vand.u32 $0xFFFFFFF0, v4;
	v4 =	vand.u32 $0xFFFFFFF0, v6;
	v6 =	vshll.u32 v11, $0x3  }
0x3a: {  	v9 =	vmul.u32 $0xCCD, v30;
	v19 =	vor.u32 v23, v28;
	v20 =	vadd.s32 v3, v14  }
0x3b: {  	s30 =	simm.s32 $0xF0;
	v3 =	vshll.u32 v7, $0x3;
	v21 =	vadd.s32 v4, v16;
	v4 =	vshll.u32 v10, $0x3  }
0x3c: {  	v6 =	vand.u32 $0xFFFFFFF0, v6;
	v7 =	vor.u32 v24, v29;
	v11 =	vor.u32 s30, v0  }
0x3d: {  	s30 =	simm.s32 $0x90;
	v3 =	vand.u32 $0xFFFFFFF0, v3;
	v4 =	vand.u32 $0xFFFFFFF0, v4;
	v22 =	vadd.s32 v6, v7  }
0x3e: {  	v6 =	vor.u32 s30, v0;
	v13 =	vshrl.u32 v9, $0x10;
	v15 =	vshrl.u32 v9, $0x13  }
0x3f: {  	s30 =	simm.s32 $0xB0;
	v9 =	vshrl.u32 v9, $0xF;
	v10 =	vadd.s32 v3, v18;
	v18 =	vadd.s32 v4, v19  }
0x40: {  	v3 =	vor.u32 v17, v5;
	v5 =	vor.u32 s30, v0;
	v13 =	vmul.u32 $0x1FFFFFEC, v13  }
0x41: {  	s0 =	simm.s32 $0x80;
	v15 =	vmul.u32 $0xA0, v15;
	v9 =	vand.u32 $0xE, v9;
	v29 =	vadd.s32 v2, v3  }
0x42: {  	v3 =	vor.u32 s0, v0;
	s0 =	simm.s32 $0xA0;
	v2 =	vmul.u32 $0xCCD, v11;
	v19 =	vmul.u32 $0xCCD, v5  }
0x43: {  	v4 =	vor.u32 s0, v0;
	s0 =	simm.s32 $0xD0;
	v14 =	vmul.u32 $0xCCD, v3;
	v13 =	vadd.s32 v30, v13  }
0x44: {  	v15 =	vadd.s32 v15, v1;
	v7 =	vor.u32 s0, v0;
	v17 =	vmul.u32 $0xCCD, v4  }
0x45: {  	v16 =	vshrl.u32 v2, $0xF;
	v25 =	vshrl.u32 v2, $0x10;
	v26 =	vshrl.u32 v2, $0x13  }
0x46: {  	v31 =	vshrl.u32 v19, $0xF;
	v36 =	vshrl.u32 v19, $0x13;
	v19 =	vshrl.u32 v19, $0x10  }
0x47: {  	s29 =	sshra.s32 s29, $0x2;
	v13 =	vshll.u32 v13, $0x3;
	v9 =	vor.u32 v9, v15;
	v15 =	vmul.u32 $0xCCD, v6  }
0x48: {  	[tilespmem:s29+$0x4000] =	vst v8;
	v24 =	vmul.u32 $0xCCD, v7;
	v2 =	vand.u32 $0xE, v16;
	v8 =	vshrl.u32 v14, $0xF  }
0x49: {  	v34 =	vshrl.u32 v14, $0x13;
	v16 =	vmul.u32 $0x1FFFFFEC, v25;
	v25 =	vmul.u32 $0xA0, v26  }
0x4a: {  	v30 =	vld [tilespmem:s28+$0x0];
	v38 =	vshrl.u32 v14, $0x10;
	v62 =	vmul.u32 $0xA0, v36;
	v13 =	vand.u32 $0xFFFFFFF0, v13  }
0x4b: {  	v28 =	vshrl.u32 v17, $0xF;
	v26 =	vshrl.u32 v17, $0x13;
	v41 =	vshrl.u32 v17, $0x10  }
0x4c: {  	s30 =	simm.s32 $0xC0;
	v14 =	vand.u32 $0xE, v8;
	v17 =	vmul.u32 $0x1FFFFFEC, v38;
	v13 =	vadd.s32 v13, v9  }
0x4d: {  	v9 =	vor.u32 s30, v0;
	v27 =	vshrl.u32 v15, $0xF;
	v33 =	vshrl.u32 v24, $0xF  }
0x4e: {  	v35 =	vshrl.u32 v15, $0x13;
	v16 =	vadd.s32 v11, v16;
	v39 =	vshrl.u32 v24, $0x13  }
0x4f: {  	s28 =	simm.s32 $0x6840;
	v40 =	vshrl.u32 v15, $0x10;
	v42 =	vshrl.u32 v24, $0x10;
	v11 =	vand.u32 $0xE, v28;
	[tilespmem:s29+$0x4004] =	vst v30  }
0x50: {  	v61 =	vmul.u32 $0xA0, v26;
	v23 =	vmul.u32 $0xCCD, v9;
	v15 =	vand.u32 $0xE, v27;
	[tilespmem:s28+$0x20] =	vst v13  }
0x51: {  	v27 =	vmul.u32 $0xA0, v34;
	v8 =	vand.u32 $0xE, v33;
	v28 =	vmul.u32 $0xA0, v39;
	[tilespmem:s28+$0xFFFFFFC0] =	vst v12  }
0x52: {  	v26 =	vmul.u32 $0x1FFFFFEC, v40;
	v32 =	vshrl.u32 v23, $0xF;
	v37 =	vshrl.u32 v23, $0x13;
	[tilespmem:s28+$0xFFFFFFD0] =	vst v20  }
0x53: {  	v30 =	vshrl.u32 v23, $0x10;
	v12 =	vand.u32 $0xE, v31;
	v31 =	vmul.u32 $0xA0, v35;
	[tilespmem:s28+$0xFFFFFFE0] =	vst v21  }
0x54: {  	[tilespmem:s28+$0xFFFFFFF0] =	vst v10;
	v20 =	vmul.u32 $0x1FFFFFEC, v41;
	v23 =	vmul.u32 $0x1FFFFFEC, v19;
	v19 =	vmul.u32 $0x1FFFFFEC, v42  }
0x55: {  	[tilespmem:s28+$0x0] =	vst v18;
	v10 =	vadd.s32 v25, v1;
	v27 =	vadd.s32 v27, v1;
	v63 =	vmul.u32 $0xA0, v37  }
0x56: {  	[tilespmem:s28+$0x10] =	vst v22;
	v21 =	vadd.s32 v61, v1;
	v22 =	vadd.s32 v62, v1;
	v13 =	vand.u32 $0xE, v32  }
0x57: {  	s30 =	simm.s32 $0xE0;
	s29 =	simm.s32 $0x170;
	[tilespmem:s28+$0x30] =	vst v29;
	v24 =	vmul.u32 $0x1FFFFFEC, v30;
	v25 =	vadd.s32 v31, v1;
	v18 =	vadd.s32 v63, v1  }
.LBB2_4:
0x58: {  	p0 =	sne.s32 s29, $0x27F0;
	v28 =	vadd.s32 v28, v1;
	v29 =	vor.u32 s30, v0;
	v16 =	vshll.u32 v16, $0x3  }
0x59: {  	v3 =	vadd.s32 v3, v17;
	v6 =	vadd.s32 v6, v26;
	v17 =	vmul.u32 $0xCCD, v29  }
0x5a: {  	v4 =	vadd.s32 v4, v20;
	v5 =	vadd.s32 v5, v23;
	v9 =	vadd.s32 v9, v24  }
0x5b: {  	v14 =	vor.u32 v14, v27;
	v7 =	vadd.s32 v7, v19;
	v19 =	vshrl.u32 v17, $0x10  }
0x5c: {  	v15 =	vor.u32 v15, v25;
	v20 =	vshrl.u32 v17, $0x13;
	v19 =	vmul.u32 $0x1FFFFFEC, v19  }
0x5d: {  	v11 =	vor.u32 v11, v21;
	v12 =	vor.u32 v12, v22;
	v20 =	vmul.u32 $0xA0, v20  }
0x5e: {  	v13 =	vor.u32 v13, v18;
	v17 =	vshrl.u32 v17, $0xF;
	v18 =	vadd.s32 v29, v19  }
0x5f: {  	v17 =	vand.u32 $0xE, v17;
	v19 =	vadd.s32 v20, v1;
	v18 =	vshll.u32 v18, $0x3  }
0x60: {  	v3 =	vshll.u32 v3, $0x3;
	v17 =	vor.u32 v17, v19;
	v18 =	vand.u32 $0xFFFFFFF0, v18  }
0x61: {  	s28 =	sadd.s32 $0x80, s28;
	v6 =	vshll.u32 v6, $0x3;
	v3 =	vand.u32 $0xFFFFFFF0, v3;
	v17 =	vadd.s32 v18, v17  }
0x62: {  	v4 =	vshll.u32 v4, $0x3;
	v6 =	vand.u32 $0xFFFFFFF0, v6;
	v3 =	vadd.s32 v3, v14;
	[tilespmem:s28+$0x20] =	vst v17  }
0x63: {  	v5 =	vshll.u32 v5, $0x3;
	v4 =	vand.u32 $0xFFFFFFF0, v4;
	[tilespmem:s28+$0xFFFFFFC0] =	vst v3;
	v3 =	vadd.s32 v6, v15  }
0x64: {  	[tilespmem:s28+$0xFFFFFFD0] =	vst v3;
	v3 =	vadd.s32 v4, v11;
	v4 =	vand.u32 $0xFFFFFFF0, v5;
	v5 =	vshll.u32 v9, $0x3  }
0x65: {  	[tilespmem:s28+$0xFFFFFFE0] =	vst v3;
	v3 =	vadd.s32 v4, v12;
	v4 =	vand.u32 $0xFFFFFFF0, v5;
	v5 =	vshll.u32 v7, $0x3  }
0x66: {  	[tilespmem:s28+$0xFFFFFFF0] =	vst v3;
	v3 =	vadd.s32 v4, v13;
	v4 =	vand.u32 $0xFFFFFFF0, v5;
	v5 =	vor.u32 v8, v28  }
0x67: {  	v2 =	vor.u32 v2, v10;
	[tilespmem:s28+$0x0] =	vst v3;
	v3 =	vadd.s32 v4, v5;
	v4 =	vand.u32 $0xFFFFFFF0, v16  }
0x68: {  	s30 =	sadd.s32 $0xFFFFFF90, s29;
	v16 =	vor.u32 s29, v0;
	[tilespmem:s28+$0x10] =	vst v3;
	v2 =	vadd.s32 v4, v2  }
0x69: {  	s31 =	sadd.s32 $0xFFFFFFB0, s29;
	s0 =	sadd.s32 $0xFFFFFFC0, s29;
	v3 =	vor.u32 s30, v0;
	s30 =	sadd.s32 $0xFFFFFFA0, s29;
	v8 =	vmul.u32 $0xCCD, v16;
	[tilespmem:s28+$0x30] =	vst v2  }
0x6a: {  	v5 =	vor.u32 s0, v0;
	s0 =	sadd.s32 $0xFFFFFFD0, s29;
	v4 =	vor.u32 s31, v0;
	v6 =	vor.u32 s30, v0;
	s30 =	sadd.s32 $0xFFFFFFE0, s29  }
0x6b: {  	v9 =	vor.u32 s0, v0;
	v10 =	vmul.u32 $0xCCD, v3;
	v7 =	vor.u32 s30, v0  }
0x6c: {  	v13 =	vmul.u32 $0xCCD, v5;
	v12 =	vmul.u32 $0xCCD, v4;
	v11 =	vmul.u32 $0xCCD, v6  }
0x6d: {  	v15 =	vmul.u32 $0xCCD, v9;
	v2 =	vshrl.u32 v8, $0xF;
	v17 =	vmul.u32 $0xCCD, v7  }
0x6e: {  	v14 =	vshrl.u32 v8, $0x10;
	v8 =	vshrl.u32 v8, $0x13;
	v2 =	vand.u32 $0xE, v2  }
0x6f: {  	v18 =	vshrl.u32 v10, $0xF;
	v20 =	vshrl.u32 v12, $0xF;
	v19 =	vshrl.u32 v11, $0xF  }
0x70: {  	v21 =	vshrl.u32 v13, $0xF;
	v22 =	vshrl.u32 v15, $0xF;
	v23 =	vshrl.u32 v17, $0xF  }
0x71: {  	v24 =	vshrl.u32 v10, $0x13;
	v27 =	vmul.u32 $0xA0, v8;
	v25 =	vshrl.u32 v11, $0x13  }
0x72: {  	v28 =	vshrl.u32 v13, $0x13;
	v26 =	vshrl.u32 v12, $0x13;
	v29 =	vshrl.u32 v15, $0x13  }
0x73: {  	v10 =	vshrl.u32 v10, $0x10;
	v31 =	vmul.u32 $0x1FFFFFEC, v14;
	v30 =	vshrl.u32 v17, $0x13  }
0x74: {  	v34 =	vshrl.u32 v13, $0x10;
	v33 =	vshrl.u32 v12, $0x10;
	v32 =	vshrl.u32 v11, $0x10  }
0x75: {  	v14 =	vand.u32 $0xE, v18;
	v18 =	vshrl.u32 v15, $0x10;
	v35 =	vshrl.u32 v17, $0x10  }
0x76: {  	v12 =	vand.u32 $0xE, v21;
	v11 =	vand.u32 $0xE, v20;
	v15 =	vand.u32 $0xE, v19  }
0x77: {  	v21 =	vmul.u32 $0xA0, v24;
	v13 =	vand.u32 $0xE, v22;
	v8 =	vand.u32 $0xE, v23  }
0x78: {  	v37 =	vmul.u32 $0xA0, v28;
	v36 =	vmul.u32 $0xA0, v26;
	v22 =	vmul.u32 $0xA0, v25  }
.Ltmp1:
0x79: {  	v29 =	vmul.u32 $0xA0, v29;
	v17 =	vmul.u32 $0x1FFFFFEC, v10;
	v28 =	vmul.u32 $0xA0, v30;
	(pc) =	sbr.rel @p0 .LBB2_4-.Ltmp1, $4  }
0x7a: {  	v20 =	vmul.u32 $0x1FFFFFEC, v33;
	v26 =	vmul.u32 $0x1FFFFFEC, v32;
	v23 =	vmul.u32 $0x1FFFFFEC, v34  }
0x7b: {  	v24 =	vmul.u32 $0x1FFFFFEC, v18;
	v10 =	vadd.s32 v27, v1;
	v19 =	vmul.u32 $0x1FFFFFEC, v35  }
0x7c: {  	v16 =	vadd.s32 v16, v31;
	v27 =	vadd.s32 v21, v1;
	v25 =	vadd.s32 v22, v1  }
0x7d: {  	s30 =	sadd.s32 $0xFFFFFFF0, s29;
	s29 =	sadd.s32 $0x80, s29;
	v21 =	vadd.s32 v36, v1;
	v18 =	vadd.s32 v29, v1;
	v22 =	vadd.s32 v37, v1  }
0x7e: {  	v28 =	vadd.s32 v28, v1;
	v29 =	vor.u32 s30, v0;
	v16 =	vshll.u32 v16, $0x3  }
0x7f: {  	v3 =	vadd.s32 v3, v17;
	v6 =	vadd.s32 v6, v26;
	v4 =	vadd.s32 v4, v20  }
0x80: {  	v5 =	vadd.s32 v5, v23;
	v9 =	vadd.s32 v9, v24;
	v14 =	vor.u32 v14, v27  }
0x81: {  	v7 =	vadd.s32 v7, v19;
	v15 =	vor.u32 v15, v25;
	v11 =	vor.u32 v11, v21  }
0x82: {  	v12 =	vor.u32 v12, v22;
	v13 =	vor.u32 v13, v18;
	v2 =	vor.u32 v2, v10  }
0x83: {  	v52 =	vmul.u32 $0xCCD, v29;
	v3 =	vshll.u32 v3, $0x3;
	v6 =	vshll.u32 v6, $0x3  }
0x84: {  	v4 =	vshll.u32 v4, $0x3;
	v5 =	vshll.u32 v5, $0x3;
	v58 =	vshll.u32 v9, $0x3  }
0x85: {  	v60 =	vshll.u32 v7, $0x3;
	v62 =	vor.u32 v8, v28;
	v63 =	vand.u32 $0xFFFFFFF0, v16  }
0x86: {  	v3 =	vand.u32 $0xFFFFFFF0, v3;
	v6 =	vand.u32 $0xFFFFFFF0, v6;
	v4 =	vand.u32 $0xFFFFFFF0, v4  }
0x87: {  	s0 =	sadd.s32 $0x80, s28;
	v57 =	vand.u32 $0xFFFFFFF0, v5;
	v59 =	vand.u32 $0xFFFFFFF0, v58;
	v2 =	vadd.s32 v63, v2  }
0x88: {  	v61 =	vand.u32 $0xFFFFFFF0, v60;
	v53 =	vshrl.u32 v52, $0x10;
	v3 =	vadd.s32 v3, v14;
	[tilespmem:s0+$0x30] =	vst v2  }
0x89: {  	v54 =	vshrl.u32 v52, $0x13;
	v19 =	vmul.u32 $0x1FFFFFEC, v53;
	[tilespmem:s0+$0xFFFFFFC0] =	vst v3;
	v3 =	vadd.s32 v6, v15  }
0x8a: {  	v17 =	vshrl.u32 v52, $0xF;
	v20 =	vmul.u32 $0xA0, v54;
	[tilespmem:s0+$0xFFFFFFD0] =	vst v3;
	v3 =	vadd.s32 v4, v11  }
0x8b: {  	v17 =	vand.u32 $0xE, v17;
	v55 =	vadd.s32 v29, v19;
	[tilespmem:s0+$0xFFFFFFE0] =	vst v3;
	v3 =	vadd.s32 v57, v12  }
0x8c: {  	v56 =	vadd.s32 v20, v1;
	v18 =	vshll.u32 v55, $0x3;
	[tilespmem:s0+$0xFFFFFFF0] =	vst v3;
	v3 =	vadd.s32 v59, v13  }
0x8d: {  	v17 =	vor.u32 v17, v56;
	v18 =	vand.u32 $0xFFFFFFF0, v18;
	[tilespmem:s0+$0x0] =	vst v3;
	v3 =	vadd.s32 v61, v62  }
0x8e: {  	v17 =	vadd.s32 v18, v17;
	[tilespmem:s0+$0x10] =	vst v3  }
0x8f: {  	s29 =	simm.s32 $0x4000;
	[tilespmem:s0+$0x20] =	vst v17  }
0x90: {  	[tilespmem:s10], [sflag:$0x1] =	stream.indirect.gather [hbm4b:s4+s8], $0x40, s29, s8, $0xb8;
	[tilespmem:$0x19000] =	vst v63  }
0x91: {  	s30 =	simm.s32 $0x4080  }
0x92: {  	[tilespmem:s11], [sflag:$0x2] =	stream.indirect.gather [hbm4b:s4+s8], $0x40, s30, s8, $0xb8;
	[tilespmem:$0x19000] =	vst v63  }
0x93: {  	s29 =	simm.s32 $0x4100  }
0x94: {  	[tilespmem:s12], [sflag:$0x3] =	stream.indirect.gather [hbm4b:s4+s8], $0x40, s29, s8, $0xb8;
	[tilespmem:$0x19000] =	vst v63  }
0x95: {  	s30 =	simm.s32 $0x4180  }
0x96: {  	[tilespmem:s13], [sflag:$0x4] =	stream.indirect.gather [hbm4b:s4+s8], $0x40, s30, s8, $0xb8;
	[tilespmem:$0x19000] =	vst v63  }
0x97: {  	s29 =	simm.s32 $0x4200  }
0x98: {  	[tilespmem:s14], [sflag:$0x5] =	stream.indirect.gather [hbm4b:s4+s8], $0x40, s29, s8, $0xb8;
	[tilespmem:$0x19000] =	vst v63  }
0x99: {  	s30 =	simm.s32 $0x4280  }
0x9a: {  	[tilespmem:s15], [sflag:$0x6] =	stream.indirect.gather [hbm4b:s4+s8], $0x40, s30, s8, $0xb8;
	[tilespmem:$0x19000] =	vst v63  }
0x9b: {  	s29 =	simm.s32 $0x4300  }
0x9c: {  	[tilespmem:s16], [sflag:$0x7] =	stream.indirect.gather [hbm4b:s4+s8], $0x40, s29, s8, $0xb8;
	[tilespmem:$0x19000] =	vst v63  }
0x9d: {  	s30 =	simm.s32 $0x4380  }
0x9e: {  	[tilespmem:s17], [sflag:$0x8] =	stream.indirect.gather [hbm4b:s4+s8], $0x40, s30, s8, $0xb8;
	[tilespmem:$0x19000] =	vst v63  }
0x9f: {  	_ =	swait.ge [sflag:s18], $0x2000  }
0xa0: {  	[sflag:s18] =	ssyncset.done $0x0  }
0xa1: {  	s29 =	simm.s32 $0x6800;
	[sflag:s18] =	ssyncadd.s32 $0xFFFFE000  }
0xa2: {  	[hbm4b:s2+s8] =	stream.indirect.scatter [tilespmem:s10], [sflag:$0x1], $0x40, s29, s8, $0xb8;
	[tilespmem:$0x19000] =	vst v63  }
0xa3: {  	_ =	swait.ge [sflag:s19], $0x2000  }
0xa4: {  	[sflag:s19] =	ssyncset.done $0x0  }
0xa5: {  	s30 =	simm.s32 $0x6880;
	[sflag:s19] =	ssyncadd.s32 $0xFFFFE000  }
0xa6: {  	[hbm4b:s2+s8] =	stream.indirect.scatter [tilespmem:s11], [sflag:$0x2], $0x40, s30, s8, $0xb8;
	[tilespmem:$0x19000] =	vst v63  }
0xa7: {  	_ =	swait.ge [sflag:s20], $0x2000  }
0xa8: {  	[sflag:s20] =	ssyncset.done $0x0  }
0xa9: {  	s29 =	simm.s32 $0x6900;
	[sflag:s20] =	ssyncadd.s32 $0xFFFFE000  }
0xaa: {  	[hbm4b:s2+s8] =	stream.indirect.scatter [tilespmem:s12], [sflag:$0x3], $0x40, s29, s8, $0xb8;
	[tilespmem:$0x19000] =	vst v63  }
0xab: {  	_ =	swait.ge [sflag:s21], $0x2000  }
0xac: {  	[sflag:s21] =	ssyncset.done $0x0  }
0xad: {  	s30 =	simm.s32 $0x6980;
	[sflag:s21] =	ssyncadd.s32 $0xFFFFE000  }
0xae: {  	[hbm4b:s2+s8] =	stream.indirect.scatter [tilespmem:s13], [sflag:$0x4], $0x40, s30, s8, $0xb8;
	[tilespmem:$0x19000] =	vst v63  }
0xaf: {  	_ =	swait.ge [sflag:s22], $0x2000  }
0xb0: {  	[sflag:s22] =	ssyncset.done $0x0  }
0xb1: {  	s29 =	simm.s32 $0x6A00;
	[sflag:s22] =	ssyncadd.s32 $0xFFFFE000  }
0xb2: {  	[hbm4b:s2+s8] =	stream.indirect.scatter [tilespmem:s14], [sflag:$0x5], $0x40, s29, s8, $0xb8;
	[tilespmem:$0x19000] =	vst v63  }
0xb3: {  	_ =	swait.ge [sflag:s23], $0x2000  }
0xb4: {  	[sflag:s23] =	ssyncset.done $0x0  }
0xb5: {  	s30 =	simm.s32 $0x6A80;
	[sflag:s23] =	ssyncadd.s32 $0xFFFFE000  }
0xb6: {  	[hbm4b:s2+s8] =	stream.indirect.scatter [tilespmem:s15], [sflag:$0x6], $0x40, s30, s8, $0xb8;
	[tilespmem:$0x19000] =	vst v63  }
0xb7: {  	_ =	swait.ge [sflag:s24], $0x2000  }
0xb8: {  	[sflag:s24] =	ssyncset.done $0x0  }
0xb9: {  	s29 =	simm.s32 $0x6B00;
	[sflag:s24] =	ssyncadd.s32 $0xFFFFE000  }
0xba: {  	[hbm4b:s2+s8] =	stream.indirect.scatter [tilespmem:s16], [sflag:$0x7], $0x40, s29, s8, $0xb8;
	[tilespmem:$0x19000] =	vst v63  }
0xbb: {  	_ =	swait.ge [sflag:s25], $0x2000  }
0xbc: {  	[sflag:s25] =	ssyncset.done $0x0  }
0xbd: {  	s30 =	simm.s32 $0x6B80;
	[sflag:s25] =	ssyncadd.s32 $0xFFFFE000  }
0xbe: {  	[hbm4b:s2+s8] =	stream.indirect.scatter [tilespmem:s17], [sflag:$0x8], $0x40, s30, s8, $0xb8;
	[tilespmem:$0x19000] =	vst v63  }
0xbf: {  	_ =	swait.ge [sflag:s18], $0x2000  }
0xc0: {  	[sflag:s18] =	ssyncset.done $0x0  }
0xc1: {  	[sflag:s18] =	ssyncadd.s32 $0xFFFFE000  }
0xc2: {  	_ =	swait.ge [sflag:s19], $0x2000  }
0xc3: {  	[sflag:s19] =	ssyncset.done $0x0  }
0xc4: {  	[sflag:s19] =	ssyncadd.s32 $0xFFFFE000  }
0xc5: {  	_ =	swait.ge [sflag:s20], $0x2000  }
0xc6: {  	[sflag:s20] =	ssyncset.done $0x0  }
0xc7: {  	[sflag:s20] =	ssyncadd.s32 $0xFFFFE000  }
0xc8: {  	_ =	swait.ge [sflag:s21], $0x2000  }
0xc9: {  	[sflag:s21] =	ssyncset.done $0x0  }
0xca: {  	[sflag:s21] =	ssyncadd.s32 $0xFFFFE000  }
0xcb: {  	_ =	swait.ge [sflag:s22], $0x2000  }
0xcc: {  	[sflag:s22] =	ssyncset.done $0x0  }
0xcd: {  	[sflag:s22] =	ssyncadd.s32 $0xFFFFE000  }
0xce: {  	_ =	swait.ge [sflag:s23], $0x2000  }
0xcf: {  	[sflag:s23] =	ssyncset.done $0x0  }
0xd0: {  	[sflag:s23] =	ssyncadd.s32 $0xFFFFE000  }
0xd1: {  	_ =	swait.ge [sflag:s24], $0x2000  }
0xd2: {  	[sflag:s24] =	ssyncset.done $0x0  }
0xd3: {  	[sflag:s24] =	ssyncadd.s32 $0xFFFFE000  }
0xd4: {  	_ =	swait.ge [sflag:s25], $0x2000  }
0xd5: {  	s31 =	simm.s32 $0x2000;
	s28 =	simm.s32 $0x400;
	[sflag:s25] =	ssyncset.done $0x0  }
.LBB2_6:
0xd6: {  	s0 =	sadd.s32 $0x4000, s28  }
0xd7: {  	[sflag:s25] =	ssyncadd.s32 $0xFFFFE000;
	s30 =	smov.u32 s31;
	s29 =	sadd.s32 $0x1000, s31  }
0xd8: {  	[tilespmem:s10], [sflag:$0x1] =	stream.indirect.gather [hbm4b:s4+s8], $0x40, s0, s8, $0xb8;
	[tilespmem:$0x19000] =	vst v63  }
0xd9: {  	p0 =	sne.s32 s31, $0x9000;
	s0 =	sadd.s32 $0x4080, s28  }
0xda: {  	[tilespmem:s11], [sflag:$0x2] =	stream.indirect.gather [hbm4b:s4+s8], $0x40, s0, s8, $0xb8;
	[tilespmem:$0x19000] =	vst v63  }
0xdb: {  	s0 =	sadd.s32 $0x4100, s28  }
0xdc: {  	[tilespmem:s12], [sflag:$0x3] =	stream.indirect.gather [hbm4b:s4+s8], $0x40, s0, s8, $0xb8;
	[tilespmem:$0x19000] =	vst v63  }
0xdd: {  	s0 =	sadd.s32 $0x4180, s28  }
0xde: {  	[tilespmem:s13], [sflag:$0x4] =	stream.indirect.gather [hbm4b:s4+s8], $0x40, s0, s8, $0xb8;
	[tilespmem:$0x19000] =	vst v63  }
0xdf: {  	s0 =	sadd.s32 $0x4200, s28  }
0xe0: {  	[tilespmem:s14], [sflag:$0x5] =	stream.indirect.gather [hbm4b:s4+s8], $0x40, s0, s8, $0xb8;
	[tilespmem:$0x19000] =	vst v63  }
0xe1: {  	s0 =	sadd.s32 $0x4280, s28  }
0xe2: {  	[tilespmem:s15], [sflag:$0x6] =	stream.indirect.gather [hbm4b:s4+s8], $0x40, s0, s8, $0xb8;
	[tilespmem:$0x19000] =	vst v63  }
0xe3: {  	s0 =	sadd.s32 $0x4300, s28  }
0xe4: {  	[tilespmem:s16], [sflag:$0x7] =	stream.indirect.gather [hbm4b:s4+s8], $0x40, s0, s8, $0xb8;
	[tilespmem:$0x19000] =	vst v63  }
0xe5: {  	s0 =	sadd.s32 $0x4380, s28  }
0xe6: {  	[tilespmem:s17], [sflag:$0x8] =	stream.indirect.gather [hbm4b:s4+s8], $0x40, s0, s8, $0xb8;
	[tilespmem:$0x19000] =	vst v63  }
0xe7: {  	_ =	swait.ge [sflag:s18], $0x2000  }
0xe8: {  	[sflag:s18] =	ssyncset.done $0x0  }
0xe9: {  	s0 =	sadd.s32 $0x6800, s28;
	[sflag:s18] =	ssyncadd.s32 $0xFFFFE000  }
0xea: {  	[hbm4b:s2+s8] =	stream.indirect.scatter [tilespmem:s10], [sflag:$0x1], $0x40, s0, s8, $0xb8;
	[tilespmem:$0x19000] =	vst v63  }
0xeb: {  	_ =	swait.ge [sflag:s19], $0x2000  }
0xec: {  	[sflag:s19] =	ssyncset.done $0x0  }
0xed: {  	s0 =	sadd.s32 $0x6880, s28;
	[sflag:s19] =	ssyncadd.s32 $0xFFFFE000  }
0xee: {  	[hbm4b:s2+s8] =	stream.indirect.scatter [tilespmem:s11], [sflag:$0x2], $0x40, s0, s8, $0xb8;
	[tilespmem:$0x19000] =	vst v63  }
0xef: {  	_ =	swait.ge [sflag:s20], $0x2000  }
0xf0: {  	[sflag:s20] =	ssyncset.done $0x0  }
0xf1: {  	s0 =	sadd.s32 $0x6900, s28;
	[sflag:s20] =	ssyncadd.s32 $0xFFFFE000  }
0xf2: {  	[hbm4b:s2+s8] =	stream.indirect.scatter [tilespmem:s12], [sflag:$0x3], $0x40, s0, s8, $0xb8;
	[tilespmem:$0x19000] =	vst v63  }
0xf3: {  	_ =	swait.ge [sflag:s21], $0x2000  }
0xf4: {  	[sflag:s21] =	ssyncset.done $0x0  }
0xf5: {  	s0 =	sadd.s32 $0x6980, s28;
	[sflag:s21] =	ssyncadd.s32 $0xFFFFE000  }
0xf6: {  	[hbm4b:s2+s8] =	stream.indirect.scatter [tilespmem:s13], [sflag:$0x4], $0x40, s0, s8, $0xb8;
	[tilespmem:$0x19000] =	vst v63  }
0xf7: {  	_ =	swait.ge [sflag:s22], $0x2000  }
0xf8: {  	[sflag:s22] =	ssyncset.done $0x0  }
0xf9: {  	s0 =	sadd.s32 $0x6A00, s28;
	[sflag:s22] =	ssyncadd.s32 $0xFFFFE000  }
0xfa: {  	[hbm4b:s2+s8] =	stream.indirect.scatter [tilespmem:s14], [sflag:$0x5], $0x40, s0, s8, $0xb8;
	[tilespmem:$0x19000] =	vst v63  }
0xfb: {  	_ =	swait.ge [sflag:s23], $0x2000  }
0xfc: {  	[sflag:s23] =	ssyncset.done $0x0  }
0xfd: {  	s0 =	sadd.s32 $0x6A80, s28;
	[sflag:s23] =	ssyncadd.s32 $0xFFFFE000  }
0xfe: {  	[hbm4b:s2+s8] =	stream.indirect.scatter [tilespmem:s15], [sflag:$0x6], $0x40, s0, s8, $0xb8;
	[tilespmem:$0x19000] =	vst v63  }
0xff: {  	_ =	swait.ge [sflag:s24], $0x2000  }
0x100: {  	[sflag:s24] =	ssyncset.done $0x0  }
0x101: {  	s0 =	sadd.s32 $0x6B00, s28;
	[sflag:s24] =	ssyncadd.s32 $0xFFFFE000  }
0x102: {  	[hbm4b:s2+s8] =	stream.indirect.scatter [tilespmem:s16], [sflag:$0x7], $0x40, s0, s8, $0xb8;
	[tilespmem:$0x19000] =	vst v63  }
0x103: {  	_ =	swait.ge [sflag:s25], $0x2000  }
0x104: {  	[sflag:s25] =	ssyncset.done $0x0  }
0x105: {  	s0 =	sadd.s32 $0x6B80, s28;
	[sflag:s25] =	ssyncadd.s32 $0xFFFFE000  }
0x106: {  	[hbm4b:s2+s8] =	stream.indirect.scatter [tilespmem:s17], [sflag:$0x8], $0x40, s0, s8, $0xb8;
	[tilespmem:$0x19000] =	vst v63  }
0x107: {  	_ =	swait.ge [sflag:s18], $0x2000  }
0x108: {  	[sflag:s18] =	ssyncset.done $0x0  }
0x109: {  	[sflag:s18] =	ssyncadd.s32 $0xFFFFE000  }
0x10a: {  	_ =	swait.ge [sflag:s19], $0x2000  }
0x10b: {  	[sflag:s19] =	ssyncset.done $0x0  }
0x10c: {  	[sflag:s19] =	ssyncadd.s32 $0xFFFFE000  }
0x10d: {  	_ =	swait.ge [sflag:s20], $0x2000  }
0x10e: {  	[sflag:s20] =	ssyncset.done $0x0  }
0x10f: {  	[sflag:s20] =	ssyncadd.s32 $0xFFFFE000  }
0x110: {  	_ =	swait.ge [sflag:s21], $0x2000  }
0x111: {  	[sflag:s21] =	ssyncset.done $0x0  }
0x112: {  	[sflag:s21] =	ssyncadd.s32 $0xFFFFE000  }
0x113: {  	_ =	swait.ge [sflag:s22], $0x2000  }
0x114: {  	[sflag:s22] =	ssyncset.done $0x0  }
0x115: {  	[sflag:s22] =	ssyncadd.s32 $0xFFFFE000  }
0x116: {  	_ =	swait.ge [sflag:s23], $0x2000  }
0x117: {  	[sflag:s23] =	ssyncset.done $0x0  }
0x118: {  	[sflag:s23] =	ssyncadd.s32 $0xFFFFE000  }
.Ltmp2:
0x119: {  	_ =	swait.ge [sflag:s24], $0x2000;
	(pc) =	sbr.rel @p0 .LBB2_6-.Ltmp2, $4  }
0x11a: {  	[sflag:s24] =	ssyncset.done $0x0  }
0x11b: {  	[sflag:s24] =	ssyncadd.s32 $0xFFFFE000  }
0x11c: {  	_ =	swait.ge [sflag:s25], $0x2000  }
0x11d: {  	s31 =	smov.u32 s29;
	s28 =	sshra.s32 s30, $0x2;
	[sflag:s25] =	ssyncset.done $0x0  }
0x11e: {  	s0 =	sadd.s32 $0x4000, s28;
	[sflag:s25] =	ssyncadd.s32 $0xFFFFE000  }
0x11f: {  	[tilespmem:s10], [sflag:$0x1] =	stream.indirect.gather [hbm4b:s4+s8], $0x40, s0, s8, $0xb8;
	[tilespmem:$0x19000] =	vst v63  }
0x120: {  	s29 =	sadd.s32 $0x4080, s28  }
0x121: {  	[tilespmem:s11], [sflag:$0x2] =	stream.indirect.gather [hbm4b:s4+s8], $0x40, s29, s8, $0xb8;
	[tilespmem:$0x19000] =	vst v63  }
0x122: {  	s30 =	sadd.s32 $0x4100, s28  }
0x123: {  	[tilespmem:s12], [sflag:$0x3] =	stream.indirect.gather [hbm4b:s4+s8], $0x40, s30, s8, $0xb8;
	[tilespmem:$0x19000] =	vst v63  }
0x124: {  	s31 =	sadd.s32 $0x4180, s28  }
0x125: {  	[tilespmem:s13], [sflag:$0x4] =	stream.indirect.gather [hbm4b:s4+s8], $0x40, s31, s8, $0xb8;
	[tilespmem:$0x19000] =	vst v63  }
0x126: {  	s29 =	sadd.s32 $0x4200, s28  }
0x127: {  	[tilespmem:s14], [sflag:$0x5] =	stream.indirect.gather [hbm4b:s4+s8], $0x40, s29, s8, $0xb8;
	[tilespmem:$0x19000] =	vst v63  }
0x128: {  	s30 =	sadd.s32 $0x4280, s28  }
0x129: {  	[tilespmem:s15], [sflag:$0x6] =	stream.indirect.gather [hbm4b:s4+s8], $0x40, s30, s8, $0xb8;
	[tilespmem:$0x19000] =	vst v63  }
0x12a: {  	s31 =	sadd.s32 $0x4300, s28  }
0x12b: {  	[tilespmem:s16], [sflag:$0x7] =	stream.indirect.gather [hbm4b:s4+s8], $0x40, s31, s8, $0xb8;
	[tilespmem:$0x19000] =	vst v63  }
0x12c: {  	s29 =	sadd.s32 $0x4380, s28  }
0x12d: {  	[tilespmem:s17], [sflag:$0x8] =	stream.indirect.gather [hbm4b:s4+s8], $0x40, s29, s8, $0xb8;
	[tilespmem:$0x19000] =	vst v63  }
0x12e: {  	_ =	swait.ge [sflag:s18], $0x2000  }
0x12f: {  	[sflag:s18] =	ssyncset.done $0x0  }
0x130: {  	s30 =	sadd.s32 $0x6800, s28;
	[sflag:s18] =	ssyncadd.s32 $0xFFFFE000  }
0x131: {  	[hbm4b:s2+s8] =	stream.indirect.scatter [tilespmem:s10], [sflag:$0x1], $0x40, s30, s8, $0xb8;
	[tilespmem:$0x19000] =	vst v63  }
0x132: {  	_ =	swait.ge [sflag:s19], $0x2000  }
0x133: {  	[sflag:s19] =	ssyncset.done $0x0  }
0x134: {  	s31 =	sadd.s32 $0x6880, s28;
	[sflag:s19] =	ssyncadd.s32 $0xFFFFE000  }
0x135: {  	[hbm4b:s2+s8] =	stream.indirect.scatter [tilespmem:s11], [sflag:$0x2], $0x40, s31, s8, $0xb8;
	[tilespmem:$0x19000] =	vst v63  }
0x136: {  	_ =	swait.ge [sflag:s20], $0x2000  }
0x137: {  	[sflag:s20] =	ssyncset.done $0x0  }
0x138: {  	s29 =	sadd.s32 $0x6900, s28;
	[sflag:s20] =	ssyncadd.s32 $0xFFFFE000  }
0x139: {  	[hbm4b:s2+s8] =	stream.indirect.scatter [tilespmem:s12], [sflag:$0x3], $0x40, s29, s8, $0xb8;
	[tilespmem:$0x19000] =	vst v63  }
0x13a: {  	_ =	swait.ge [sflag:s21], $0x2000  }
0x13b: {  	[sflag:s21] =	ssyncset.done $0x0  }
0x13c: {  	s30 =	sadd.s32 $0x6980, s28;
	[sflag:s21] =	ssyncadd.s32 $0xFFFFE000  }
0x13d: {  	[hbm4b:s2+s8] =	stream.indirect.scatter [tilespmem:s13], [sflag:$0x4], $0x40, s30, s8, $0xb8;
	[tilespmem:$0x19000] =	vst v63  }
0x13e: {  	_ =	swait.ge [sflag:s22], $0x2000  }
0x13f: {  	[sflag:s22] =	ssyncset.done $0x0  }
0x140: {  	s31 =	sadd.s32 $0x6A00, s28;
	[sflag:s22] =	ssyncadd.s32 $0xFFFFE000  }
0x141: {  	[hbm4b:s2+s8] =	stream.indirect.scatter [tilespmem:s14], [sflag:$0x5], $0x40, s31, s8, $0xb8;
	[tilespmem:$0x19000] =	vst v63  }
0x142: {  	_ =	swait.ge [sflag:s23], $0x2000  }
0x143: {  	[sflag:s23] =	ssyncset.done $0x0  }
0x144: {  	s29 =	sadd.s32 $0x6A80, s28;
	[sflag:s23] =	ssyncadd.s32 $0xFFFFE000  }
0x145: {  	[hbm4b:s2+s8] =	stream.indirect.scatter [tilespmem:s15], [sflag:$0x6], $0x40, s29, s8, $0xb8;
	[tilespmem:$0x19000] =	vst v63  }
0x146: {  	_ =	swait.ge [sflag:s24], $0x2000  }
0x147: {  	[sflag:s24] =	ssyncset.done $0x0  }
0x148: {  	s30 =	sadd.s32 $0x6B00, s28;
	[sflag:s24] =	ssyncadd.s32 $0xFFFFE000  }
0x149: {  	[hbm4b:s2+s8] =	stream.indirect.scatter [tilespmem:s16], [sflag:$0x7], $0x40, s30, s8, $0xb8;
	[tilespmem:$0x19000] =	vst v63  }
0x14a: {  	_ =	swait.ge [sflag:s25], $0x2000  }
0x14b: {  	[sflag:s25] =	ssyncset.done $0x0  }
0x14c: {  	s31 =	sadd.s32 $0x6B80, s28;
	[sflag:s25] =	ssyncadd.s32 $0xFFFFE000  }
0x14d: {  	[hbm4b:s2+s8] =	stream.indirect.scatter [tilespmem:s17], [sflag:$0x8], $0x40, s31, s8, $0xb8;
	[tilespmem:$0x19000] =	vst v63  }
0x14e: {  	_ =	swait.ge [sflag:s18], $0x2000  }
0x14f: {  	[sflag:s18] =	ssyncset.done $0x0  }
0x150: {  	[sflag:s18] =	ssyncadd.s32 $0xFFFFE000  }
0x151: {  	_ =	swait.ge [sflag:s19], $0x2000  }
0x152: {  	[sflag:s19] =	ssyncset.done $0x0  }
0x153: {  	[sflag:s19] =	ssyncadd.s32 $0xFFFFE000  }
0x154: {  	_ =	swait.ge [sflag:s20], $0x2000  }
0x155: {  	[sflag:s20] =	ssyncset.done $0x0  }
0x156: {  	[sflag:s20] =	ssyncadd.s32 $0xFFFFE000  }
0x157: {  	_ =	swait.ge [sflag:s21], $0x2000  }
0x158: {  	[sflag:s21] =	ssyncset.done $0x0  }
0x159: {  	[sflag:s21] =	ssyncadd.s32 $0xFFFFE000  }
0x15a: {  	_ =	swait.ge [sflag:s22], $0x2000  }
0x15b: {  	[sflag:s22] =	ssyncset.done $0x0  }
0x15c: {  	[sflag:s22] =	ssyncadd.s32 $0xFFFFE000  }
0x15d: {  	_ =	swait.ge [sflag:s23], $0x2000  }
0x15e: {  	[sflag:s23] =	ssyncset.done $0x0  }
0x15f: {  	s26 =	sadd.s32 $0x1, s26;
	[sflag:s23] =	ssyncadd.s32 $0xFFFFE000  }
0x160: {  	p0 =	sne.s32 s26, s6;
	_ =	swait.ge [sflag:s24], $0x2000  }
.Ltmp3:
0x161: {  	[sflag:s24] =	ssyncset.done $0x0;
	(pc) =	sbr.rel @p0 .LBB2_1-.Ltmp3, $4  }
0x162: {  	[sflag:s24] =	ssyncadd.s32 $0xFFFFE000  }
0x163: {  	_ =	swait.ge [sflag:s25], $0x2000  }
0x164: {  	[sflag:s25] =	ssyncset.done $0x0  }
0x165: {  	[sflag:s25] =	ssyncadd.s32 $0xFFFFE000  }
0x166: {  	_ =	sfence.sel $0x180000  }
0x167: {  	[bflag:$0x0] =	sbarrier.arrive $0xFFFF  }
0x168: {  	_ =	strace $0x9000004A  }
0x169: {  	[bflag:$0x2] =	sbarrier.arrive $0xFFFF  }
0x16a: {  	p0 =	sne.s32 s1, $0x0;
	s0 =	rddreg [dreg:$0x2]  }
0x16b: {  	s0 =	sadd.s32 @!p0 $0x100000, s0  }
0x16c: {  	[sflag:s0] =	ssyncadd.tile.s32 @!p0 $0x1;
	_ =	shalt  }
.Lfunc_end2:
_tile_overlayer_lowered:
.L_overlay_start_2:
0x16d: {  	(tag) =	ssettag $0x2  }
0x16e: {  	s0 =	rddreg [dreg:$0x0];
	s2 =	stileid.u32  }
0x16f: {  	s1 =	rddreg [dreg:$0x1];
	p0 =	sne.s32 s2, $0x0  }
0x170: {  	s3 =	rddreg [dreg:$0x2];
	[bflag:$0x3] =	sbarrier.arrive $0xFFFF;
	s2 =	simm.s32 @!p0 $0x1C09  }
0x171: {  	[timem:s3], [sflag:s2] =	dma.local @!p0 [hbm:s0], s1  }
0x172: {  	s0 =	simm.s32 @!p0 $0x9  }
0x173: {  	_ =	swait.ge @!p0 [sflag:s0], s1  }
0x174: {  	s1 =	ssub.s32 @!p0 $0x0, s1;
	[sflag:s0] =	ssyncset.done @!p0 $0x0  }
0x175: {  	[sflag:s0] =	ssyncadd.s32 @!p0 s1  }
0x176: {  	[bflag:$0x3] =	sbarrier.arrive $0xFFFF  }
0x177: {  	_ =	shalt  }

// kernel: sparse-core-data-format-call.cloned.1.call-start
scs
called_computation_lowered:
.L_overlay_start_0:
0x0: {  	s2 =	sld [smem:$0x3FD9]  }
0x1: {  	s3 =	sld [smem:$0x3FFE];
	_ =	sdelay $0x1  }
0x2: {  	s1 =	srdreg.scid  }
0x3: {  	s0 =	sand.u32 $0x1, s1  }
0x4: {  	s18 =	sshll.u32 s0, $0xA;
	s2 =	sadd.s32 s3, s2  }
0x5: {  	s2 =	sadd.s32 s2, s18  }
0x6: {  	[smem:$0x3FC6] =	sst s2  }
0x7: {  	_ = 	snop  }
0x8: {  	s2 =	sld [smem:$0x3FC8];
	(tm) =	ssettm $0x1  }
0x9: {  	s19 =	sld [smem:$0x3FFB];
	_ =	sdelay $0x3  }
0xa: {  	_ =	strace s19  }
0xb: {  	s3 =	sld [smem:$0x3FFC];
	_ =	sdelay $0x3  }
0xc: {  	_ =	strace s3  }
0xd: {  	s3 =	sld [smem:$0x3FFD];
	_ =	sdelay $0x3  }
0xe: {  	_ =	strace s3  }
0xf: {  	_ =	strace $0x8FFFFFFF  }
0x10: {  	s20 =	sld [smem:$0x3FDB];
	_ =	sdelay $0x1  }
0x11: {  	s4 =	simm.s32 $_scs_section_size  }
0x12: {  	s5 =	simm.s32 $_size__tile_overlayer_lowered;
	s6 =	simm.s32 $_tile_overlayer_lowered  }
0x13: {  	s23 =	simm.s32 $0x1BFF;
	s22 =	sshll.u32 s6, $0x1;
	s3 =	sadd.s32 s4, s20  }
0x14: {  	s7 =	simm.s32 $0x0;
	s21 =	sshll.u32 s5, $0x1;
	s5 =	sadd.s32 s22, s3  }
0x15: {  	[timem:s7], [sflag:s23] =	dma.local [hbm:s5], s21  }
0x16: {  	_ =	swait.ge [sflag:s23], s21  }
0x17: {  	s4 =	ssub.s32 $0x0, s21;
	[sflag:s23] =	ssyncset.done $0x0  }
0x18: {  	[sflag:s23] =	ssyncadd.s32 s4;
	_ =	sdelay $0x1  }
0x19: {  	s24 =	simm.s32 $0x1B8B  }
0x1a: {  	_ =	swait.ge [sflag:s24], $0x1  }
0x1b: {  	[sflag:s24] =	ssyncset.done $0x0  }
0x1c: {  	s26 =	simm.s32 $0x1B8E;
	s25 =	sld [smem:$0x3FFE];
	[sflag:s24] =	ssyncadd.s32 $0xFFFFFFFF  }
0x1d: {  	s27 =	simm.s32 $execute0_lowered;
	[smem:$0x3FD2] =	sst s26  }
0x1e: {  	s5 =	sshll.u32 s27, $0x1;
	_ =	strace $0x80000046;
	[dreg:$0x1] =	wrdreg $0xFFFFFFFF  }
0x1f: {  	s28 =	simm.s32 $_size_execute0_lowered;
	s3 =	sadd.s32 s3, s5;
	[dreg:$0x0] =	wrdreg $0x0  }
0x20: {  	s5 =	sshll.u32 s28, $0x1;
	[dreg:$0x2] =	wrdreg s3  }
0x21: {  	[dreg:$0x3] =	wrdreg s5  }
0x22: {  	[dreg:$0x4] =	wrdreg $0xC0  }
0x23: {  	_ =	task [dreg:s7], $0x5FFFF  }
0x24: {  	[dreg:$0x1] =	wrdreg $0xFFFFFFFF  }
0x25: {  	[dreg:$0x0] =	wrdreg $0x60  }
0x26: {  	[dreg:$0x2] =	wrdreg s2  }
0x27: {  	[dreg:$0x3] =	wrdreg s25  }
0x28: {  	[dreg:$0x4] =	wrdreg $0x9  }
0x29: {  	_ =	task.clear_ibuf [dreg:s7], $0x5FFFF;
	_ =	strace $0x90000046  }
0x2a: {  	s29 =	simm.s32 $0x9;
	_ =	strace $0x80000048  }
0x2b: {  	_ =	swait.ge [sflag:s29], $0x1  }
0x2c: {  	[sflag:s29] =	ssyncadd.s32 $0xFFFFFFFF  }
0x2d: {  	_ =	strace $0x90000048  }
0x2e: {  	_ =	sfence  }
0x2f: {  	s30 =	sld [smem:$0x0];
	_ =	sdelay $0x2  }
0x30: {  	s31 =	sshll.u32 s1, $0xD;
	s1 =	sshrl.u32 s1, $0x2  }
0x31: {  	s3 =	sand.u32 $0x4000, s31;
	s1 =	sadd.s32 s1, s30  }
0x32: {  	s0 =	sor.u32 s3, s0;
	s1 =	sshll.u32 s1, $0x11  }
0x33: {  	s0 =	sor.u32 s1, s0  }
0x34: {  	s0 =	sadd.s32 $0x8F2B, s0  }
0x35: {  	[sflag:s0] =	ssyncadd.remote.s32 $0x1  }
0x36: {  	_ =	sfence.sel $0xFFFF  }
0x37: {  	[dreg:$0x0] =	wrdreg $0xFFFFFFFF;
	(pc) =	sbr.abs _section_cstart, $3  }
0x38: {  	[dreg:$0x1] =	wrdreg $0xFFFFFFFF  }
0x39: {  	_ =	task.clear_ibuf [dreg:s7], $0x2FFFF;
	_ =	strace $0x9FFFFFFF  }
0x3a: {  	(tm) =	ssettm $0x7FFFFFFF  }
0x3b: {  	_ =	shalt  }
tec
execute0_lowered:
.L_overlay_start_1:
0x0: {  	(tag) =	ssettag $0x1  }
0x1: {  	s0 =	srdreg.scid;
	s2 =	rddreg [dreg:$0x0]  }
0x2: {  	s5 =	rddreg [dreg:$0x1];
	s1 =	stileid.u32  }
0x3: {  	s4 =	simm.s32 $0x1;
	s6 =	simm.s32 $0x2;
	s15 =	simm.s32 $0x0  }
0x4: {  	p0 =	por $0x0, $0x0;
	s8 =	simm.s32 $0x80;
	s0 =	sshll.u32 s0, $0x4  }
0x5: {  	s14 =	simm.s32 $0x0;
	s9 =	simm.s32 $0x0;
	s3 =	sand.u32 $0x10, s0  }
.Ltmp0:
0x6: {  	s10 =	simm.s32 $0x0;
	s3 =	sor.u32 s1, s3;
	(pc) =	sbr.rel .LBB1_1-.Ltmp0, $4  }
0x7: {  	s0 =	rddreg [dreg:$0x2];
	_ =	strace $0x80000047;
	s3 =	sshll.u32 s3, $0x7  }
0x8: {  	s12 =	simm.s32 $0x0;
	[sflag:s4] =	ssyncpa.u1 $0x0;
	s7 =	ssub.s32 $0xF4200, s3  }
0x9: {  	s13 =	simm.s32 $0x0;
	[sflag:s6] =	ssyncpa.u1 $0x0;
	s6 =	sshrl.u32 s7, $0xC  }
0xa: {  	s5 =	sadd.s32 $0xA00, s5;
	s11 =	smov.u32 s3;
	s7 =	sadd.s32 $0x2, s6  }
.LBB1_5:
0xb: {  	p1 =	slt.u32 s13, $0x2  }
0xc: {  	s17 =	smov.u32 s15;
	p2 =	sgt.s32 @!p1 s15, $0xF41C0;
	s16 =	sshra.s32 @!p1 s15, $0x1F  }
0xd: {  	p3 =	sgt.s32 @!p1 s14, $0x40;
	s18 =	sshra.s32 @!p1 s14, $0x1F;
	p2 =	por !p2, p1  }
0xe: {  	s15 =	sand.u32 @!p1 s16, s15;
	p3 =	por !p3, p1;
	s16 =	smov.u32 s14  }
0xf: {  	s14 =	sand.u32 @!p1 s18, s14;
	s17 =	simm.s32 @p2 $0xF41C0;
	s16 =	simm.s32 @p3 $0x40  }
0x10: {  	s15 =	ssub.s32 @!p1 s17, s15;
	s14 =	ssub.s32 @!p1 s16, s14  }
0x11: {  	s18 =	smov.u32 s12;
	s16 =	sadd.s32 @!p1 $0xFFF0BE40, s15;
	s17 =	sadd.s32 @!p1 $0xFFFFFFC0, s14  }
0x12: {  	s15 =	ssub.s32 @!p1 $0xF4240, s15;
	p2 =	sgt.s32 @!p1 s16, $0x7F;
	p3 =	sgt.s32 @!p1 s17, $0x3F  }
0x13: {  	s14 =	ssub.s32 @!p1 $0x80, s14;
	p2 =	por !p2, p1;
	p3 =	por !p3, p1  }
0x14: {  	s16 =	sadd.s32 $0x1000, s11;
	s15 =	simm.s32 @!p2 $0x0;
	s14 =	simm.s32 @!p3 $0x0  }
0x15: {  	p2 =	sgt.s32 s16, $0xF423F;
	s14 =	smul.u32 @!p1 s14, s15;
	s15 =	sadd.s32 $0x40, s12  }
0x16: {  	s18 =	smov.u32 @p2 s15  }
0x17: {  	s16 =	smov.u32 @p2 s3;
	p2 =	sgt.s32 s18, $0x3F  }
0x18: {  	s18 =	simm.s32 @p2 $0x0;
	p2 =	sne.s32 s13, s7  }
.Ltmp1:
0x19: {  	p0 =	por !p0, !p0;
	s17 =	simm.s32 @!p1 $0x2;
	(pc) =	sbr.rel @!p2 .LBB1_6-.Ltmp1, $4  }
0x1a: {  	s15 =	smov.u32 s9;
	s9 =	smov.u32 s11;
	s14 =	sand.u32 @!p1 $0x3FFFFFFF, s14  }
0x1b: {  	s11 =	smov.u32 s16;
	_ =	swait.ge @!p1 [sflag:s17], s14;
	s19 =	ssub.s32 @!p1 $0x0, s14  }
0x1c: {  	s14 =	smov.u32 s10;
	s13 =	sadd.s32 $0x1, s13;
	[sflag:s17] =	ssyncset.done @!p1 $0x0  }
0x1d: {  	s10 =	smov.u32 s12;
	s12 =	smov.u32 s18;
	[sflag:s17] =	ssyncadd.s32 @!p1 s19  }
.LBB1_1:
0x1e: {  	p1 =	sgt.u32 s13, s6  }
0x1f: {  	s16 =	sshrl.u32 @!p1 s12, $0x3  }
0x20: {  	s17 =	sshll.u32 @!p1 s11, $0x3;
	s16 =	smul.u32 @!p1 $0x7A1400, s16  }
0x21: {  	s18 =	sshll.u32 @!p1 s12, $0x7;
	s17 =	sand.u32 @!p1 $0xFFFFFC00, s17  }
0x22: {  	s16 =	sadd.s32 @!p1 s16, s17;
	s17 =	sand.u32 @!p1 $0x380, s18  }
0x23: {  	s18 =	sand.u32 @!p1 $0x7F, s11;
	s16 =	sor.u32 @!p1 s17, s16  }
0x24: {  	s17 =	sor.u32 @!p1 s18, s16  }
0x25: {  	s18 =	smulhi.u32 @!p1 $0x218D6287, s17;
	_ =	sdelay $0x1  }
0x26: {  	s16 =	smulhi.u32 @!p1 $0x218D6287, s16;
	s18 =	sshrl.u32 @!p1 s18, $0x11  }
0x27: {  	s18 =	smul.u32 @!p1 $0xF4280, s18  }
0x28: {  	s19 =	sxor.u32 @!p1 $0xFFFFFFFF, s13;
	s16 =	sshrl.u32 @!p1 s16, $0x11  }
0x29: {  	s19 =	sshll.u32 @!p1 s19, $0xD;
	s16 =	sand.u32 @!p1 $0x3F, s16;
	s17 =	ssub.s32 @!p1 s17, s18  }
0x2a: {  	s16 =	smul.u32 @!p1 $0x1E850, s16;
	s18 =	sshrl.u32 @!p1 s17, $0x3;
	s17 =	sand.u32 @!p1 $0x7, s17  }
0x2b: {  	s19 =	sand.u32 @!p1 $0x2000, s19;
	s18 =	sadd.s32 @!p1 s2, s18;
	s17 =	sshll.u32 @!p1 s17, $0x12  }
0x2c: {  	s16 =	sadd.s32 @!p1 s16, s18;
	s17 =	sor.u32 @!p1 $0x400, s17;
	s18 =	simm.s32 @!p1 $0x7A1400  }
0x2d: {  	[tilespmem:s19], [sflag:$0x1] =	stream.strided.gather @!p1 [hbm4b:s16+s17], $0x2000, s18, s17, $0x38;
	[tilespmem:$0x8100] =	vst v63  }
0x2e: {  	p1 =	seq.s32 s13, $0x0  }
0x2f: {  	p2 =	sge.u32 @!p1 s13, s7  }
0x30: {  	p1 =	por p1, p2  }
.Ltmp2:
0x31: {  	_ = 	snop;
	(pc) =	sbr.rel @p1 .LBB1_5-.Ltmp2, $1  }
0x32: {  	_ =	sdelay $0x3  }
0x33: {  	s16 =	simm.s32 $0x1  }
0x34: {  	_ =	swait.ge [sflag:s4], $0x2000;
	s16 =	simm.s32 @!p0 $0x0  }
0x35: {  	[sflag:s4] =	ssyncset.done $0x0;
	s17 =	sshll.u32 s16, $0xD  }
0x36: {  	[sflag:s4] =	ssyncadd.s32 $0xFFFFE000;
	s17 =	sor.u32 $0x40, s17  }
0x37: {  	s16 =	smul.u32 $0x8200, s16;
	v0 =	vld [tilespmem:s17+$0x30]  }
0x38: {  	v1 =	vld [tilespmem:s17+$0xFFFFFFD0]  }
0x39: {  	s16 =	sshrl.u32 s16, $0x2;
	v5 =	vld [tilespmem:s17+$0xFFFFFFE0]  }
0x3a: {  	v6 =	vld [tilespmem:s17+$0xFFFFFFF0];
	s19 =	sor.u32 $0x4000, s16  }
0x3b: {  	s31 =	sand.u32 $0x1, s13;
	v4 =	vld [tilespmem:s17+$0x0];
	s18 =	sadd.s32 $0x0, s19  }
0x3c: {  	v3 =	vld [tilespmem:s17+$0x10];
	s16 =	smul.u32 $0x8200, s31;
	[tilespmem:s18+$0x1C70 ss:$0x41] =	vst.msk $0xffff, v0  }
0x3d: {  	v2 =	vld [tilespmem:s17+$0x20];
	[tilespmem:s18+$0x410 ss:$0x41] =	vst.msk $0xffff, v1  }
0x3e: {  	s16 =	sshrl.u32 s16, $0x2;
	v1 =	vld [tilespmem:s17+$0xFFFFFFC0];
	[tilespmem:s18+$0x820 ss:$0x41] =	vst.msk $0xffff, v5;
	s17 =	sadd.s32 $0x80, s17  }
0x3f: {  	s20 =	simm.s32 $0x4;
	s21 =	simm.s32 $0x8;
	s16 =	sor.u32 $0x4000, s16;
	[tilespmem:s18+$0xC30 ss:$0x41] =	vst.msk $0xffff, v6;
	v0 =	vld [tilespmem:s17+$0x30]  }
.LBB1_3:
0x40: {  	p1 =	sne.s32 s21, $0xFC;
	v5 =	vld [tilespmem:s17+$0xFFFFFFD0];
	[tilespmem:s18+$0x1040 ss:$0x41] =	vst.msk $0xffff, v4  }
0x41: {  	v6 =	vld [tilespmem:s17+$0xFFFFFFE0];
	[tilespmem:s18+$0x1450 ss:$0x41] =	vst.msk $0xffff, v3  }
0x42: {  	s22 =	sshra.s32 s20, $0x2;
	s20 =	smov.u32 s21;
	v7 =	vld [tilespmem:s17+$0xFFFFFFF0];
	[tilespmem:s18+$0x1860 ss:$0x41] =	vst.msk $0xffff, v2  }
.Ltmp3:
0x43: {  	v4 =	vld [tilespmem:s17+$0x0];
	[tilespmem:s18+$0x0 ss:$0x41] =	vst.msk $0xffff, v1;
	s18 =	sadd.s32 s22, s19;
	(pc) =	sbr.rel @p1 .LBB1_3-.Ltmp3, $4  }
0x44: {  	v3 =	vld [tilespmem:s17+$0x10];
	[tilespmem:s18+$0x1C70 ss:$0x41] =	vst.msk $0xffff, v0  }
0x45: {  	[tilespmem:s18+$0x410 ss:$0x41] =	vst.msk $0xffff, v5;
	v2 =	vld [tilespmem:s17+$0x20]  }
0x46: {  	v1 =	vld [tilespmem:s17+$0xFFFFFFC0];
	[tilespmem:s18+$0x820 ss:$0x41] =	vst.msk $0xffff, v6;
	s17 =	sadd.s32 $0x80, s17  }
0x47: {  	s21 =	sadd.s32 $0x4, s21;
	v0 =	vld [tilespmem:s17+$0x30];
	[tilespmem:s18+$0xC30 ss:$0x41] =	vst.msk $0xffff, v7  }
0x48: {  	s21 =	sshll.u32 s9, $0x7;
	s22 =	sshll.u32 s10, $0x3;
	s20 =	sshra.s32 s20, $0x2  }
0x49: {  	p1 =	sgt.s32 s9, $0xF41C0;
	s30 =	sshra.s32 s9, $0x1F;
	s25 =	sshra.s32 s10, $0x1F  }
0x4a: {  	v5 =	vld [tilespmem:s17+$0xFFFFFFD0];
	s28 =	sshrl.u32 s10, $0x3;
	s23 =	sand.u32 $0xFFFFFC00, s21;
	s22 =	sand.u32 $0xFFFFFC00, s22  }
0x4b: {  	[tilespmem:s18+$0x1040 ss:$0x41] =	vst.msk $0xffff, v4;
	v58 =	vld [tilespmem:s17+$0xFFFFFFE0];
	s21 =	sand.u32 $0x380, s21;
	s19 =	sadd.s32 s20, s19;
	s22 =	sadd.s32 s22, s23  }
0x4c: {  	v59 =	vld [tilespmem:s17+$0xFFFFFFF0];
	[tilespmem:s18+$0x1450 ss:$0x41] =	vst.msk $0xffff, v3;
	s29 =	sor.u32 s21, s22;
	s21 =	smov.u32 s9;
	s22 =	sand.u32 s30, s9  }
0x4d: {  	v60 =	vld [tilespmem:s17+$0x0];
	[tilespmem:s18+$0x1860 ss:$0x41] =	vst.msk $0xffff, v2;
	s30 =	sand.u32 $0x7, s10;
	s20 =	sshrl.u32 s29, $0x7;
	s21 =	simm.s32 @!p1 $0xF41C0  }
0x4e: {  	v61 =	vld [tilespmem:s17+$0x10];
	[tilespmem:s18+$0x0 ss:$0x41] =	vst.msk $0xffff, v1;
	p1 =	sgt.s32 s10, $0x40;
	s24 =	ssub.s32 s21, s22;
	s21 =	smov.u32 s10  }
0x4f: {  	v62 =	vld [tilespmem:s17+$0x20];
	[tilespmem:s19+$0x1C70 ss:$0x41] =	vst.msk $0xffff, v0;
	s31 =	smulhi.u32 $0x218DEF5, s20;
	s22 =	sand.u32 s25, s10;
	s21 =	simm.s32 @!p1 $0x40  }
0x50: {  	v63 =	vld [tilespmem:s17+$0xFFFFFFC0];
	[tilespmem:s19+$0x410 ss:$0x41] =	vst.msk $0xffff, v5;
	s26 =	sadd.s32 $0xFFF0BE40, s24;
	s17 =	ssub.s32 $0xF4240, s24;
	s21 =	ssub.s32 s21, s22  }
0x51: {  	[tilespmem:s19+$0x820 ss:$0x41] =	vst.msk $0xffff, v58;
	s23 =	sshrl.u32 s31, $0xD;
	p1 =	sgt.s32 s26, $0x7F;
	s27 =	sadd.s32 $0xFFFFFFC0, s21  }
0x52: {  	[tilespmem:s19+$0xC30 ss:$0x41] =	vst.msk $0xffff, v59;
	s23 =	smul.u32 $0xF4240, s23;
	s18 =	ssub.s32 $0x80, s21;
	p2 =	sgt.s32 s27, $0x3F  }
.Ltmp4:
0x53: {  	[tilespmem:s19+$0x1040 ss:$0x41] =	vst.msk $0xffff, v60;
	s17 =	simm.s32 @p1 $0x0;
	s18 =	simm.s32 @p2 $0x0;
	(pc) =	sbr.rel .LBB1_5-.Ltmp4, $4  }
0x54: {  	s29 =	sand.u32 $0xF, s28;
	[tilespmem:s19+$0x1450 ss:$0x41] =	vst.msk $0xffff, v61;
	s20 =	ssub.s32 s20, s23;
	s17 =	smul.u32 s18, s17  }
0x55: {  	[tilespmem:s19+$0x1860 ss:$0x41] =	vst.msk $0xffff, v62;
	s21 =	sshll.u32 s30, $0x12;
	s20 =	sshll.u32 s20, $0x4;
	s18 =	sadd.s32 s5, s29  }
0x56: {  	[tilespmem:s19+$0x0 ss:$0x41] =	vst.msk $0xffff, v63;
	s31 =	sor.u32 $0x40, s21;
	s18 =	sadd.s32 s20, s18;
	s17 =	sand.u32 $0x3FFFFFFF, s17  }
0x57: {  	[hbm4b:s18+s31] =	stream.strided.scatter [tilespmem:s16], [sflag:$0x2], s17, s8, s31, $0x18;
	[tilespmem:$0x8100] =	vst v63  }
.LBB1_6:
0x58: {  	_ =	sfence.sel $0x180000  }
0x59: {  	s2 =	simm.s32 $0x1;
	[bflag:$0x0] =	sbarrier.arrive $0xFFFF  }
0x5a: {  	s31 =	simm.s32 $0x2;
	[sflag:s2] =	ssyncpa.u1 $0x1  }
0x5b: {  	[sflag:s31] =	ssyncpa.u1 $0x1  }
0x5c: {  	p0 =	sne.s32 s1, $0x0;
	_ =	strace $0x90000047  }
0x5d: {  	s0 =	sadd.s32 @!p0 $0x100000, s0;
	[bflag:$0x2] =	sbarrier.arrive $0xFFFF  }
0x5e: {  	[sflag:s0] =	ssyncadd.tile.s32 @!p0 $0x1;
	_ =	shalt  }
.Lfunc_end1:
_tile_overlayer_lowered:
.L_overlay_start_2:
0x5f: {  	(tag) =	ssettag $0x2  }
0x60: {  	s0 =	rddreg [dreg:$0x0];
	s2 =	stileid.u32  }
0x61: {  	s1 =	rddreg [dreg:$0x1];
	p0 =	sne.s32 s2, $0x0  }
0x62: {  	s3 =	rddreg [dreg:$0x2];
	[bflag:$0x3] =	sbarrier.arrive $0xFFFF;
	s2 =	simm.s32 @!p0 $0x1C01  }
0x63: {  	[timem:s3], [sflag:s2] =	dma.local @!p0 [hbm:s0], s1  }
0x64: {  	s0 =	simm.s32 @!p0 $0x1  }
0x65: {  	_ =	swait.ge @!p0 [sflag:s0], s1  }
0x66: {  	s1 =	ssub.s32 @!p0 $0x0, s1;
	[sflag:s0] =	ssyncset.done @!p0 $0x0  }
0x67: {  	[sflag:s0] =	ssyncadd.s32 @!p0 s1  }
0x68: {  	[bflag:$0x3] =	sbarrier.arrive $0xFFFF  }
0x69: {  	_ =	shalt  }

</sc_bundles>
